<compile_context>
chip_gen: v7x
topology: tpu7x:2x2x1
jax: 0.10.2.dev20260603
libtpu: 0.0.44.dev20260713+nightly
codegen_flags: <defaults>
</compile_context>

<pallas_src>
import jax
import jax.numpy as jnp
from jax import lax
from jax.experimental import pallas as pl
from jax.experimental.pallas import tpu as pltpu
from jax.experimental.pallas import tpu_sc as plsc

VOCAB = 100000
EMBED_DIM = 64
OUT_DIM = 2
BATCH = 4096
SEQ = 200
VPAD = 102400
HALF = VPAD // 2
TS = SEQ // 8
TB = BATCH // 128

_GRID = 10
_BW = HALF // _GRID


def _project_body(t1_ref, t2_ref, w_ref, q0_ref, q1_ref):
    pid = pl.program_id(0)
    tbl = jnp.concatenate([t1_ref[...], t2_ref[...]], axis=1)
    q = lax.dot_general(w_ref[...], tbl, (((1,), (0,)), ((), ())),
                        preferred_element_type=jnp.float32)
    ids = lax.broadcasted_iota(jnp.int32, q.shape, 1)
    vids = jnp.where(ids < _BW, ids + pid * _BW, ids - _BW + pid * _BW + HALF)
    q = q * (1.0 / SEQ)
    q = jnp.where((vids == 0) | (vids >= VOCAB), 0.0, q)
    u16 = lax.bitcast_convert_type(q.astype(jnp.bfloat16), jnp.uint16)
    u = u16.astype(jnp.int32)
    packed = u[:, :_BW] | (u[:, _BW:] << 16)
    q0_ref[...] = packed[0]
    q1_ref[...] = packed[1]


def _project(table_t, W):
    return pl.pallas_call(
        _project_body,
        grid=(_GRID,),
        in_specs=[
            pl.BlockSpec((EMBED_DIM, _BW), lambda i: (0, i)),
            pl.BlockSpec((EMBED_DIM, _BW), lambda i: (0, i + _GRID)),
            pl.BlockSpec((OUT_DIM, EMBED_DIM), lambda i: (0, 0)),
        ],
        out_specs=[
            pl.BlockSpec((_BW,), lambda i: (i,)),
            pl.BlockSpec((_BW,), lambda i: (i,)),
        ],
        out_shape=[
            jax.ShapeDtypeStruct((HALF,), jnp.int32),
            jax.ShapeDtypeStruct((HALF,), jnp.int32),
        ],
    )(table_t, table_t, W)


def _sc_gather(q0_hbm, q1_hbm, idx_hbm, b_hbm, out_hbm, q_v, idx_v, out_v,
               b_v, sem_q, sem_i0, sem_i1):
    c = lax.axis_index("c")
    s = lax.axis_index("s")
    pltpu.sync_copy(b_hbm, b_v.at[pl.ds(0, OUT_DIM)])
    b_vec = plsc.load_gather(b_v, [jnp.zeros((16,), jnp.int32) + c])
    for _c, q_hbm in ((0, q0_hbm), (1, q1_hbm)):
        @pl.when(c == _c)
        def _(q_hbm=q_hbm):
            pltpu.async_copy(q_hbm, q_v, sem_q)
    cps = [pltpu.async_copy(idx_hbm.at[:, 2 * s + tb], idx_v.at[tb], sem)
           for tb, sem in ((0, sem_i0), (1, sem_i1))]
    pltpu.make_async_copy(q0_hbm, q_v, sem_q).wait()
    for tb in range(2):
        cps[tb].wait()

        def g_body(g, _, _tb=tb):
            def body(ts, acc):
                a = acc
                for si in range(8):
                    v = idx_v[_tb, ts, si, pl.ds(g * 16, 16)]
                    hi = v >= HALF
                    w = jnp.where(hi, v - HALF, v)
                    u = plsc.load_gather(q_v, [w])
                    bits = jnp.where(hi, u & -65536, u << 16)
                    a = a + plsc.bitcast(bits, jnp.float32)
                return a
            acc = lax.fori_loop(0, TS, body, b_vec)
            out_v[pl.ds(_tb * 128 + g * 16, 16)] = acc
            return 0

        lax.fori_loop(0, 8, g_body, 0)
        pltpu.sync_copy(out_v.at[pl.ds(tb * 128, 128)],
                        out_hbm.at[2 * s + tb, c])


def kernel(embedding, table, W, b):
    q0, q1 = _project(table.T, W)
    idx4 = embedding.T.reshape(TS, 8, TB, 128).transpose(0, 2, 1, 3)

    mesh = plsc.VectorSubcoreMesh(core_axis_name="c", subcore_axis_name="s")
    sc = pl.kernel(
        _sc_gather, mesh=mesh,
        compiler_params=pltpu.CompilerParams(
            needs_layout_passes=False, use_tc_tiling_on_sc=False),
        out_type=jax.ShapeDtypeStruct((TB, OUT_DIM, 128), jnp.float32),
        scratch_types=[
            pltpu.VMEM((HALF,), jnp.int32),
            pltpu.VMEM((2, TS, 8, 128), jnp.int32),
            pltpu.VMEM((256,), jnp.float32),
            pltpu.VMEM((16,), jnp.float32),
            pltpu.SemaphoreType.DMA,
            pltpu.SemaphoreType.DMA,
            pltpu.SemaphoreType.DMA,
        ],
    )
    out3 = sc(q0, q1, idx4, b)
    return out3.transpose(0, 2, 1).reshape(BATCH, OUT_DIM)

# --- scband reference (transcript-rebuilt; emitter-appended) ---
"""Pipeline reference for scband-word-avgmodel-27187142983887 (READ-ONLY COPY).

The authoritative reference and input builder live on the scoring server;
editing this copy changes nothing except your own understanding.
"""

import jax, jax.numpy as jnp
import numpy as np

VOCAB = 100000
EMBED_DIM = 64
OUTPUT_DIM = 2
PAD_IDX = 0
BATCH = 4096
SEQ = 200


def setup_inputs(seed: int = 0) -> dict:
    key = jax.random.key(seed)
    k1, k2, k3, k4 = jax.random.split(key, 4)
    embedding = jax.random.randint(k1, (BATCH, SEQ), 0, VOCAB, dtype=jnp.int64 if jax.config.jax_enable_x64 else jnp.int32).astype(jnp.int32)
    table = jax.random.normal(k2, (VOCAB, EMBED_DIM), dtype=jnp.float32)
    table = table.at[PAD_IDX].set(0.0)
    W = jax.random.normal(k3, (OUTPUT_DIM, EMBED_DIM), dtype=jnp.float32) * 0.05
    b = jax.random.normal(k4, (OUTPUT_DIM,), dtype=jnp.float32) * 0.05
    return {"embedding": embedding, "table": table, "W": W, "b": b}


def reference(embedding, table, W, b):
    # nn.Embedding with padding_idx: row PAD_IDX is zero
    pad_mask = jnp.ones((table.shape[0], 1), dtype=table.dtype).at[PAD_IDX].set(0.0)
    tbl = table * pad_mask
    # gather: [B, L, D]
    embedded = jnp.take(tbl, embedding, axis=0)
    # F.avg_pool2d(embedded, (L, 1)).squeeze(1) == mean over sequence axis
    pooled = jnp.mean(embedded, axis=1)
    # fc
    return pooled @ W.T + b

if __name__ == "__main__":
    import jax
    _d = setup_inputs()
    print(jax.jit(kernel)(*tuple(_d.values())))

</pallas_src>

<mosaic_0001>
#map = affine_map<(d0, d1) -> (0)>
#map1 = affine_map<(d0, d1) -> (0, 0, 0, 0)>
#map2 = affine_map<(d0, d1) -> (0, 0, 0)>
module attributes {stable_mosaic.version = 14 : i64} {
  func.func @_sc_gather(%arg0: i32, %arg1: i32, %arg2: memref<51200xi32, #tpu.memory_space<hbm>>, %arg3: memref<51200xi32, #tpu.memory_space<hbm>>, %arg4: memref<25x32x8x128xi32, #tpu.memory_space<hbm>>, %arg5: memref<2xf32, #tpu.memory_space<hbm>>, %arg6: memref<32x2x128xf32, #tpu.memory_space<hbm>>, %arg7: memref<51200xi32, #tpu.memory_space<vmem>>, %arg8: memref<2x25x8x128xi32, #tpu.memory_space<vmem>>, %arg9: memref<256xf32, #tpu.memory_space<vmem>>, %arg10: memref<16xf32, #tpu.memory_space<vmem>>, %arg11: memref<!tpu.dma_semaphore, #tpu.memory_space<semaphore_mem>>, %arg12: memref<!tpu.dma_semaphore, #tpu.memory_space<semaphore_mem>>, %arg13: memref<!tpu.dma_semaphore, #tpu.memory_space<semaphore_mem>>) attributes {dimension_semantics = [#tpu.dimension_semantics<core_parallel>, #tpu.dimension_semantics<subcore_parallel>], iteration_bounds = array<i64: 2, 16>, scalar_prefetch = 0 : i64, scratch_operands = 7 : i64, tpu.core_type = #tpu.core_type<sc_vector_subcore>, window_params = [{transform_indices = #map}, {transform_indices = #map}, {transform_indices = #map1}, {transform_indices = #map}, {transform_indices = #map2}]} {
    "tpu.region"() ({
      %run_scoped3A = tpu.sem_alloc : memref<!tpu.dma_semaphore, #tpu.memory_space<semaphore_mem>>
      %dma_start3A_119 = arith.constant 0 : i32
      %dma_start3A_120 = tpu.memref_slice %arg10[%dma_start3A_119] : memref<16xf32, #tpu.memory_space<vmem>> -> memref<2xf32, #tpu.memory_space<vmem>>
      %dma_start3A_121 = arith.constant 0 : i32
      %dma_start3A_122 = tpu.memref_slice %arg10[%dma_start3A_121] : memref<16xf32, #tpu.memory_space<vmem>> -> memref<2xf32, #tpu.memory_space<vmem>>
      tpu.enqueue_dma source(%arg5 : memref<2xf32, #tpu.memory_space<hbm>>) target(%dma_start3A_122 : memref<2xf32, #tpu.memory_space<vmem>>) target_semaphore(%run_scoped3A : memref<!tpu.dma_semaphore, #tpu.memory_space<semaphore_mem>>)
      %dma_wait3A_123 = arith.constant 0 : i32
      %dma_wait3A_124 = tpu.memref_slice %arg10[%dma_wait3A_123] : memref<16xf32, #tpu.memory_space<vmem>> -> memref<2xf32, #tpu.memory_space<vmem>>
      %dma_wait3A_125 = arith.constant 0 : i32
      %dma_wait3A_126 = tpu.memref_slice %arg10[%dma_wait3A_125] : memref<16xf32, #tpu.memory_space<vmem>> -> memref<2xf32, #tpu.memory_space<vmem>>
      tpu.wait_dma2 semaphore(%run_scoped3A : memref<!tpu.dma_semaphore, #tpu.memory_space<semaphore_mem>>) src(%arg5 : memref<2xf32, #tpu.memory_space<hbm>>) dst(%dma_wait3A_126 : memref<2xf32, #tpu.memory_space<vmem>>)
      tpu.yield
    }) : () -> ()
    %broadcast_in_dim3A = arith.constant 0 : i32
    %broadcast_in_dim3A_0 = vector.broadcast %broadcast_in_dim3A : i32 to vector<16xi32>
    %add3A = vector.broadcast %arg0 : i32 to vector<16xi32>
    %add3A_1 = arith.addi %broadcast_in_dim3A_0, %add3A : vector<16xi32>
    %gather3A = tpu.vector_load_idx %arg10[%add3A_1] : memref<16xf32, #tpu.memory_space<vmem>>[vector<16xi32>], vector<16xf32>,
    %eq3A = arith.constant 0 : i32
    %eq3A_2 = arith.cmpi eq, %arg0, %eq3A : i32
    %convert_element_type3A = arith.extui %eq3A_2 : i1 to i32
    %cond3A = arith.constant 0 : i32
    %cond3A_3 = arith.cmpi ne, %convert_element_type3A, %cond3A : i32
    scf.if %cond3A_3 {
      tpu.enqueue_dma source(%arg2 : memref<51200xi32, #tpu.memory_space<hbm>>) target(%arg7 : memref<51200xi32, #tpu.memory_space<vmem>>) target_semaphore(%arg11 : memref<!tpu.dma_semaphore, #tpu.memory_space<semaphore_mem>>)
    } else {
    }
    %eq3A_4 = arith.constant 1 : i32
    %eq3A_5 = arith.cmpi eq, %arg0, %eq3A_4 : i32
    %convert_element_type3A_6 = arith.extui %eq3A_5 : i1 to i32
    %cond3A_7 = arith.constant 0 : i32
    %cond3A_8 = arith.cmpi ne, %convert_element_type3A_6, %cond3A_7 : i32
    scf.if %cond3A_8 {
      tpu.enqueue_dma source(%arg3 : memref<51200xi32, #tpu.memory_space<hbm>>) target(%arg7 : memref<51200xi32, #tpu.memory_space<vmem>>) target_semaphore(%arg11 : memref<!tpu.dma_semaphore, #tpu.memory_space<semaphore_mem>>)
    } else {
    }
    %mul3A = arith.constant 2 : i32
    %mul3A_9 = arith.muli %mul3A, %arg1 : i32
    %add3A_10 = arith.constant 0 : i32
    %add3A_11 = arith.addi %mul3A_9, %add3A_10 : i32
    %dma_start3A = arith.constant 0 : i32
    %dma_start3A_12 = arith.constant 0 : i32
    %dma_start3A_13 = arith.constant 0 : i32
    %dma_start3A_14 = arith.constant 0 : i32
    %dma_start3A_15 = tpu.memref_slice %arg8[%dma_start3A, %dma_start3A_12, %dma_start3A_13, %dma_start3A_14] : memref<2x25x8x128xi32, #tpu.memory_space<vmem>> -> memref<1x25x8x128xi32, #tpu.memory_space<vmem>>
    %dma_start3A_16 = tpu.memref_squeeze %dma_start3A_15 : memref<1x25x8x128xi32, #tpu.memory_space<vmem>> -> memref<25x8x128xi32, #tpu.memory_space<vmem>>
    %dma_start3A_17 = arith.constant 0 : i32
    %dma_start3A_18 = arith.constant 0 : i32
    %dma_start3A_19 = arith.constant 0 : i32
    %dma_start3A_20 = tpu.memref_slice %arg4[%dma_start3A_17, %add3A_11, %dma_start3A_18, %dma_start3A_19] : memref<25x32x8x128xi32, #tpu.memory_space<hbm>> -> memref<25x1x8x128xi32, #tpu.memory_space<hbm>>
    %dma_start3A_21 = tpu.memref_squeeze %dma_start3A_20 : memref<25x1x8x128xi32, #tpu.memory_space<hbm>> -> memref<25x8x128xi32, #tpu.memory_space<hbm>>
    %dma_start3A_22 = arith.constant 0 : i32
    %dma_start3A_23 = arith.constant 0 : i32
    %dma_start3A_24 = arith.constant 0 : i32
    %dma_start3A_25 = tpu.memref_slice %arg8[%dma_start3A, %dma_start3A_22, %dma_start3A_23, %dma_start3A_24] : memref<2x25x8x128xi32, #tpu.memory_space<vmem>> -> memref<1x25x8x128xi32, #tpu.memory_space<vmem>>
    %dma_start3A_26 = tpu.memref_squeeze %dma_start3A_25 : memref<1x25x8x128xi32, #tpu.memory_space<vmem>> -> memref<25x8x128xi32, #tpu.memory_space<vmem>>
    %dma_start3A_27 = arith.constant 0 : i32
    %dma_start3A_28 = arith.constant 0 : i32
    %dma_start3A_29 = arith.constant 0 : i32
    %dma_start3A_30 = tpu.memref_slice %arg4[%dma_start3A_27, %add3A_11, %dma_start3A_28, %dma_start3A_29] : memref<25x32x8x128xi32, #tpu.memory_space<hbm>> -> memref<25x1x8x128xi32, #tpu.memory_space<hbm>>
    %dma_start3A_31 = tpu.memref_squeeze %dma_start3A_30 : memref<25x1x8x128xi32, #tpu.memory_space<hbm>> -> memref<25x8x128xi32, #tpu.memory_space<hbm>>
    tpu.enqueue_dma source(%dma_start3A_31 : memref<25x8x128xi32, #tpu.memory_space<hbm>>) target(%dma_start3A_26 : memref<25x8x128xi32, #tpu.memory_space<vmem>>) target_semaphore(%arg12 : memref<!tpu.dma_semaphore, #tpu.memory_space<semaphore_mem>>)
    %mul3A_32 = arith.constant 2 : i32
    %mul3A_33 = arith.muli %mul3A_32, %arg1 : i32
    %add3A_34 = arith.constant 1 : i32
    %add3A_35 = arith.addi %mul3A_33, %add3A_34 : i32
    %dma_start3A_36 = arith.constant 1 : i32
    %dma_start3A_37 = arith.constant 0 : i32
    %dma_start3A_38 = arith.constant 0 : i32
    %dma_start3A_39 = arith.constant 0 : i32
    %dma_start3A_40 = tpu.memref_slice %arg8[%dma_start3A_36, %dma_start3A_37, %dma_start3A_38, %dma_start3A_39] : memref<2x25x8x128xi32, #tpu.memory_space<vmem>> -> memref<1x25x8x128xi32, #tpu.memory_space<vmem>>
    %dma_start3A_41 = tpu.memref_squeeze %dma_start3A_40 : memref<1x25x8x128xi32, #tpu.memory_space<vmem>> -> memref<25x8x128xi32, #tpu.memory_space<vmem>>
    %dma_start3A_42 = arith.constant 0 : i32
    %dma_start3A_43 = arith.constant 0 : i32
    %dma_start3A_44 = arith.constant 0 : i32
    %dma_start3A_45 = tpu.memref_slice %arg4[%dma_start3A_42, %add3A_35, %dma_start3A_43, %dma_start3A_44] : memref<25x32x8x128xi32, #tpu.memory_space<hbm>> -> memref<25x1x8x128xi32, #tpu.memory_space<hbm>>
    %dma_start3A_46 = tpu.memref_squeeze %dma_start3A_45 : memref<25x1x8x128xi32, #tpu.memory_space<hbm>> -> memref<25x8x128xi32, #tpu.memory_space<hbm>>
    %dma_start3A_47 = arith.constant 0 : i32
    %dma_start3A_48 = arith.constant 0 : i32
    %dma_start3A_49 = arith.constant 0 : i32
    %dma_start3A_50 = tpu.memref_slice %arg8[%dma_start3A_36, %dma_start3A_47, %dma_start3A_48, %dma_start3A_49] : memref<2x25x8x128xi32, #tpu.memory_space<vmem>> -> memref<1x25x8x128xi32, #tpu.memory_space<vmem>>
    %dma_start3A_51 = tpu.memref_squeeze %dma_start3A_50 : memref<1x25x8x128xi32, #tpu.memory_space<vmem>> -> memref<25x8x128xi32, #tpu.memory_space<vmem>>
    %dma_start3A_52 = arith.constant 0 : i32
    %dma_start3A_53 = arith.constant 0 : i32
    %dma_start3A_54 = arith.constant 0 : i32
    %dma_start3A_55 = tpu.memref_slice %arg4[%dma_start3A_52, %add3A_35, %dma_start3A_53, %dma_start3A_54] : memref<25x32x8x128xi32, #tpu.memory_space<hbm>> -> memref<25x1x8x128xi32, #tpu.memory_space<hbm>>
    %dma_start3A_56 = tpu.memref_squeeze %dma_start3A_55 : memref<25x1x8x128xi32, #tpu.memory_space<hbm>> -> memref<25x8x128xi32, #tpu.memory_space<hbm>>
    tpu.enqueue_dma source(%dma_start3A_56 : memref<25x8x128xi32, #tpu.memory_space<hbm>>) target(%dma_start3A_51 : memref<25x8x128xi32, #tpu.memory_space<vmem>>) target_semaphore(%arg13 : memref<!tpu.dma_semaphore, #tpu.memory_space<semaphore_mem>>)
    tpu.wait_dma2 semaphore(%arg11 : memref<!tpu.dma_semaphore, #tpu.memory_space<semaphore_mem>>) src(%arg2 : memref<51200xi32, #tpu.memory_space<hbm>>) dst(%arg7 : memref<51200xi32, #tpu.memory_space<vmem>>)
    %dma_wait3A = arith.constant 0 : i32
    %dma_wait3A_57 = arith.constant 0 : i32
    %dma_wait3A_58 = arith.constant 0 : i32
    %dma_wait3A_59 = arith.constant 0 : i32
    %dma_wait3A_60 = tpu.memref_slice %arg8[%dma_wait3A, %dma_wait3A_57, %dma_wait3A_58, %dma_wait3A_59] : memref<2x25x8x128xi32, #tpu.memory_space<vmem>> -> memref<1x25x8x128xi32, #tpu.memory_space<vmem>>
    %dma_wait3A_61 = tpu.memref_squeeze %dma_wait3A_60 : memref<1x25x8x128xi32, #tpu.memory_space<vmem>> -> memref<25x8x128xi32, #tpu.memory_space<vmem>>
    %dma_wait3A_62 = arith.constant 0 : i32
    %dma_wait3A_63 = arith.constant 0 : i32
    %dma_wait3A_64 = arith.constant 0 : i32
    %dma_wait3A_65 = tpu.memref_slice %arg4[%dma_wait3A_62, %add3A_11, %dma_wait3A_63, %dma_wait3A_64] : memref<25x32x8x128xi32, #tpu.memory_space<hbm>> -> memref<25x1x8x128xi32, #tpu.memory_space<hbm>>
    %dma_wait3A_66 = tpu.memref_squeeze %dma_wait3A_65 : memref<25x1x8x128xi32, #tpu.memory_space<hbm>> -> memref<25x8x128xi32, #tpu.memory_space<hbm>>
    %dma_wait3A_67 = arith.constant 0 : i32
    %dma_wait3A_68 = arith.constant 0 : i32
    %dma_wait3A_69 = arith.constant 0 : i32
    %dma_wait3A_70 = tpu.memref_slice %arg8[%dma_wait3A, %dma_wait3A_67, %dma_wait3A_68, %dma_wait3A_69] : memref<2x25x8x128xi32, #tpu.memory_space<vmem>> -> memref<1x25x8x128xi32, #tpu.memory_space<vmem>>
    %dma_wait3A_71 = tpu.memref_squeeze %dma_wait3A_70 : memref<1x25x8x128xi32, #tpu.memory_space<vmem>> -> memref<25x8x128xi32, #tpu.memory_space<vmem>>
    %dma_wait3A_72 = arith.constant 0 : i32
    %dma_wait3A_73 = arith.constant 0 : i32
    %dma_wait3A_74 = arith.constant 0 : i32
    %dma_wait3A_75 = tpu.memref_slice %arg4[%dma_wait3A_72, %add3A_11, %dma_wait3A_73, %dma_wait3A_74] : memref<25x32x8x128xi32, #tpu.memory_space<hbm>> -> memref<25x1x8x128xi32, #tpu.memory_space<hbm>>
    %dma_wait3A_76 = tpu.memref_squeeze %dma_wait3A_75 : memref<25x1x8x128xi32, #tpu.memory_space<hbm>> -> memref<25x8x128xi32, #tpu.memory_space<hbm>>
    tpu.wait_dma2 semaphore(%arg12 : memref<!tpu.dma_semaphore, #tpu.memory_space<semaphore_mem>>) src(%dma_wait3A_76 : memref<25x8x128xi32, #tpu.memory_space<hbm>>) dst(%dma_wait3A_71 : memref<25x8x128xi32, #tpu.memory_space<vmem>>)
    %scan3A = arith.constant 0 : i32
    %scan3A_77 = arith.constant 0 : i32
    %scan3A_78 = arith.constant 8 : i32
    %scan3A_79 = arith.addi %scan3A_77, %scan3A_78 : i32
    %scan3A_80 = arith.constant 1 : i32
    %scan3A_81 = scf.for %scan3A_119 = %scan3A_77 to %scan3A_79 step %scan3A_80 iter_args(%scan3A_120 = %scan3A) -> (i32)  : i32 {
      %scan3A_121 = arith.constant 0 : i32
      %scan3A_122 = arith.constant 25 : i32
      %scan3A_123 = arith.addi %scan3A_121, %scan3A_122 : i32
      %scan3A_124 = arith.constant 1 : i32
      %scan3A_125 = scf.for %scan3A_133 = %scan3A_121 to %scan3A_123 step %scan3A_124 iter_args(%scan3A_134 = %gather3A) -> (vector<16xf32>)  : i32 {
        %mul3A_135 = arith.constant 16 : i32
        %mul3A_136 = arith.muli %scan3A_119, %mul3A_135 : i32
        %get3A = arith.constant 0 : i32
        %get3A_137 = arith.constant 0 : i32
        %get3A_138 = arith.index_cast %get3A : i32 to index
        %get3A_139 = arith.index_cast %scan3A_133 : i32 to index
        %get3A_140 = arith.index_cast %get3A_137 : i32 to index
        %get3A_141 = arith.index_cast %mul3A_136 : i32 to index
        %get3A_142 = tpu.vector_load %arg8[%get3A_138, %get3A_139, %get3A_140, %get3A_141] {strides = array<i32>} : memref<2x25x8x128xi32, #tpu.memory_space<vmem>>, vector<16xi32>,
        %ge3A = arith.constant 51200 : i32
        %ge3A_143 = vector.broadcast %ge3A : i32 to vector<16xi32>
        %ge3A_144 = arith.cmpi sge, %get3A_142, %ge3A_143 : vector<16xi32>
        %sub3A = arith.constant 51200 : i32
        %sub3A_145 = vector.broadcast %sub3A : i32 to vector<16xi32>
        %sub3A_146 = arith.subi %get3A_142, %sub3A_145 : vector<16xi32>
        %select_n3A = arith.select %ge3A_144, %sub3A_146, %get3A_142 : vector<16xi1>, vector<16xi32>
        %gather3A_147 = tpu.vector_load_idx %arg7[%select_n3A] : memref<51200xi32, #tpu.memory_space<vmem>>[vector<16xi32>], vector<16xi32>,
        %and3A = arith.constant -65536 : i32
        %and3A_148 = vector.broadcast %and3A : i32 to vector<16xi32>
        %and3A_149 = arith.andi %gather3A_147, %and3A_148 : vector<16xi32>
        %shift_left3A = arith.constant 16 : i32
        %shift_left3A_150 = vector.broadcast %shift_left3A : i32 to vector<16xi32>
        %shift_left3A_151 = arith.shli %gather3A_147, %shift_left3A_150 : vector<16xi32>
        %select_n3A_152 = arith.select %ge3A_144, %and3A_149, %shift_left3A_151 : vector<16xi1>, vector<16xi32>
        %bitcast3A = vector.bitcast %select_n3A_152 : vector<16xi32> to vector<16xf32>
        %add3A_153 = arith.addf %scan3A_134, %bitcast3A : vector<16xf32>
        %mul3A_154 = arith.constant 16 : i32
        %mul3A_155 = arith.muli %scan3A_119, %mul3A_154 : i32
        %get3A_156 = arith.constant 0 : i32
        %get3A_157 = arith.constant 1 : i32
        %get3A_158 = arith.index_cast %get3A_156 : i32 to index
        %get3A_159 = arith.index_cast %scan3A_133 : i32 to index
        %get3A_160 = arith.index_cast %get3A_157 : i32 to index
        %get3A_161 = arith.index_cast %mul3A_155 : i32 to index
        %get3A_162 = tpu.vector_load %arg8[%get3A_158, %get3A_159, %get3A_160, %get3A_161] {strides = array<i32>} : memref<2x25x8x128xi32, #tpu.memory_space<vmem>>, vector<16xi32>,
        %ge3A_163 = arith.constant 51200 : i32
        %ge3A_164 = vector.broadcast %ge3A_163 : i32 to vector<16xi32>
        %ge3A_165 = arith.cmpi sge, %get3A_162, %ge3A_164 : vector<16xi32>
        %sub3A_166 = arith.constant 51200 : i32
        %sub3A_167 = vector.broadcast %sub3A_166 : i32 to vector<16xi32>
        %sub3A_168 = arith.subi %get3A_162, %sub3A_167 : vector<16xi32>
        %select_n3A_169 = arith.select %ge3A_165, %sub3A_168, %get3A_162 : vector<16xi1>, vector<16xi32>
        %gather3A_170 = tpu.vector_load_idx %arg7[%select_n3A_169] : memref<51200xi32, #tpu.memory_space<vmem>>[vector<16xi32>], vector<16xi32>,
        %and3A_171 = arith.constant -65536 : i32
        %and3A_172 = vector.broadcast %and3A_171 : i32 to vector<16xi32>
        %and3A_173 = arith.andi %gather3A_170, %and3A_172 : vector<16xi32>
        %shift_left3A_174 = arith.constant 16 : i32
        %shift_left3A_175 = vector.broadcast %shift_left3A_174 : i32 to vector<16xi32>
        %shift_left3A_176 = arith.shli %gather3A_170, %shift_left3A_175 : vector<16xi32>
        %select_n3A_177 = arith.select %ge3A_165, %and3A_173, %shift_left3A_176 : vector<16xi1>, vector<16xi32>
        %bitcast3A_178 = vector.bitcast %select_n3A_177 : vector<16xi32> to vector<16xf32>
        %add3A_179 = arith.addf %add3A_153, %bitcast3A_178 : vector<16xf32>
        %mul3A_180 = arith.constant 16 : i32
        %mul3A_181 = arith.muli %scan3A_119, %mul3A_180 : i32
        %get3A_182 = arith.constant 0 : i32
        %get3A_183 = arith.constant 2 : i32
        %get3A_184 = arith.index_cast %get3A_182 : i32 to index
        %get3A_185 = arith.index_cast %scan3A_133 : i32 to index
        %get3A_186 = arith.index_cast %get3A_183 : i32 to index
        %get3A_187 = arith.index_cast %mul3A_181 : i32 to index
        %get3A_188 = tpu.vector_load %arg8[%get3A_184, %get3A_185, %get3A_186, %get3A_187] {strides = array<i32>} : memref<2x25x8x128xi32, #tpu.memory_space<vmem>>, vector<16xi32>,
        %ge3A_189 = arith.constant 51200 : i32
        %ge3A_190 = vector.broadcast %ge3A_189 : i32 to vector<16xi32>
        %ge3A_191 = arith.cmpi sge, %get3A_188, %ge3A_190 : vector<16xi32>
        %sub3A_192 = arith.constant 51200 : i32
        %sub3A_193 = vector.broadcast %sub3A_192 : i32 to vector<16xi32>
        %sub3A_194 = arith.subi %get3A_188, %sub3A_193 : vector<16xi32>
        %select_n3A_195 = arith.select %ge3A_191, %sub3A_194, %get3A_188 : vector<16xi1>, vector<16xi32>
        %gather3A_196 = tpu.vector_load_idx %arg7[%select_n3A_195] : memref<51200xi32, #tpu.memory_space<vmem>>[vector<16xi32>], vector<16xi32>,
        %and3A_197 = arith.constant -65536 : i32
        %and3A_198 = vector.broadcast %and3A_197 : i32 to vector<16xi32>
        %and3A_199 = arith.andi %gather3A_196, %and3A_198 : vector<16xi32>
        %shift_left3A_200 = arith.constant 16 : i32
        %shift_left3A_201 = vector.broadcast %shift_left3A_200 : i32 to vector<16xi32>
        %shift_left3A_202 = arith.shli %gather3A_196, %shift_left3A_201 : vector<16xi32>
        %select_n3A_203 = arith.select %ge3A_191, %and3A_199, %shift_left3A_202 : vector<16xi1>, vector<16xi32>
        %bitcast3A_204 = vector.bitcast %select_n3A_203 : vector<16xi32> to vector<16xf32>
        %add3A_205 = arith.addf %add3A_179, %bitcast3A_204 : vector<16xf32>
        %mul3A_206 = arith.constant 16 : i32
        %mul3A_207 = arith.muli %scan3A_119, %mul3A_206 : i32
        %get3A_208 = arith.constant 0 : i32
        %get3A_209 = arith.constant 3 : i32
        %get3A_210 = arith.index_cast %get3A_208 : i32 to index
        %get3A_211 = arith.index_cast %scan3A_133 : i32 to index
        %get3A_212 = arith.index_cast %get3A_209 : i32 to index
        %get3A_213 = arith.index_cast %mul3A_207 : i32 to index
        %get3A_214 = tpu.vector_load %arg8[%get3A_210, %get3A_211, %get3A_212, %get3A_213] {strides = array<i32>} : memref<2x25x8x128xi32, #tpu.memory_space<vmem>>, vector<16xi32>,
        %ge3A_215 = arith.constant 51200 : i32
        %ge3A_216 = vector.broadcast %ge3A_215 : i32 to vector<16xi32>
        %ge3A_217 = arith.cmpi sge, %get3A_214, %ge3A_216 : vector<16xi32>
        %sub3A_218 = arith.constant 51200 : i32
        %sub3A_219 = vector.broadcast %sub3A_218 : i32 to vector<16xi32>
        %sub3A_220 = arith.subi %get3A_214, %sub3A_219 : vector<16xi32>
        %select_n3A_221 = arith.select %ge3A_217, %sub3A_220, %get3A_214 : vector<16xi1>, vector<16xi32>
        %gather3A_222 = tpu.vector_load_idx %arg7[%select_n3A_221] : memref<51200xi32, #tpu.memory_space<vmem>>[vector<16xi32>], vector<16xi32>,
        %and3A_223 = arith.constant -65536 : i32
        %and3A_224 = vector.broadcast %and3A_223 : i32 to vector<16xi32>
        %and3A_225 = arith.andi %gather3A_222, %and3A_224 : vector<16xi32>
        %shift_left3A_226 = arith.constant 16 : i32
        %shift_left3A_227 = vector.broadcast %shift_left3A_226 : i32 to vector<16xi32>
        %shift_left3A_228 = arith.shli %gather3A_222, %shift_left3A_227 : vector<16xi32>
        %select_n3A_229 = arith.select %ge3A_217, %and3A_225, %shift_left3A_228 : vector<16xi1>, vector<16xi32>
        %bitcast3A_230 = vector.bitcast %select_n3A_229 : vector<16xi32> to vector<16xf32>
        %add3A_231 = arith.addf %add3A_205, %bitcast3A_230 : vector<16xf32>
        %mul3A_232 = arith.constant 16 : i32
        %mul3A_233 = arith.muli %scan3A_119, %mul3A_232 : i32
        %get3A_234 = arith.constant 0 : i32
        %get3A_235 = arith.constant 4 : i32
        %get3A_236 = arith.index_cast %get3A_234 : i32 to index
        %get3A_237 = arith.index_cast %scan3A_133 : i32 to index
        %get3A_238 = arith.index_cast %get3A_235 : i32 to index
        %get3A_239 = arith.index_cast %mul3A_233 : i32 to index
        %get3A_240 = tpu.vector_load %arg8[%get3A_236, %get3A_237, %get3A_238, %get3A_239] {strides = array<i32>} : memref<2x25x8x128xi32, #tpu.memory_space<vmem>>, vector<16xi32>,
        %ge3A_241 = arith.constant 51200 : i32
        %ge3A_242 = vector.broadcast %ge3A_241 : i32 to vector<16xi32>
        %ge3A_243 = arith.cmpi sge, %get3A_240, %ge3A_242 : vector<16xi32>
        %sub3A_244 = arith.constant 51200 : i32
        %sub3A_245 = vector.broadcast %sub3A_244 : i32 to vector<16xi32>
        %sub3A_246 = arith.subi %get3A_240, %sub3A_245 : vector<16xi32>
        %select_n3A_247 = arith.select %ge3A_243, %sub3A_246, %get3A_240 : vector<16xi1>, vector<16xi32>
        %gather3A_248 = tpu.vector_load_idx %arg7[%select_n3A_247] : memref<51200xi32, #tpu.memory_space<vmem>>[vector<16xi32>], vector<16xi32>,
        %and3A_249 = arith.constant -65536 : i32
        %and3A_250 = vector.broadcast %and3A_249 : i32 to vector<16xi32>
        %and3A_251 = arith.andi %gather3A_248, %and3A_250 : vector<16xi32>
        %shift_left3A_252 = arith.constant 16 : i32
        %shift_left3A_253 = vector.broadcast %shift_left3A_252 : i32 to vector<16xi32>
        %shift_left3A_254 = arith.shli %gather3A_248, %shift_left3A_253 : vector<16xi32>
        %select_n3A_255 = arith.select %ge3A_243, %and3A_251, %shift_left3A_254 : vector<16xi1>, vector<16xi32>
        %bitcast3A_256 = vector.bitcast %select_n3A_255 : vector<16xi32> to vector<16xf32>
        %add3A_257 = arith.addf %add3A_231, %bitcast3A_256 : vector<16xf32>
        %mul3A_258 = arith.constant 16 : i32
        %mul3A_259 = arith.muli %scan3A_119, %mul3A_258 : i32
        %get3A_260 = arith.constant 0 : i32
        %get3A_261 = arith.constant 5 : i32
        %get3A_262 = arith.index_cast %get3A_260 : i32 to index
        %get3A_263 = arith.index_cast %scan3A_133 : i32 to index
        %get3A_264 = arith.index_cast %get3A_261 : i32 to index
        %get3A_265 = arith.index_cast %mul3A_259 : i32 to index
        %get3A_266 = tpu.vector_load %arg8[%get3A_262, %get3A_263, %get3A_264, %get3A_265] {strides = array<i32>} : memref<2x25x8x128xi32, #tpu.memory_space<vmem>>, vector<16xi32>,
        %ge3A_267 = arith.constant 51200 : i32
        %ge3A_268 = vector.broadcast %ge3A_267 : i32 to vector<16xi32>
        %ge3A_269 = arith.cmpi sge, %get3A_266, %ge3A_268 : vector<16xi32>
        %sub3A_270 = arith.constant 51200 : i32
        %sub3A_271 = vector.broadcast %sub3A_270 : i32 to vector<16xi32>
        %sub3A_272 = arith.subi %get3A_266, %sub3A_271 : vector<16xi32>
        %select_n3A_273 = arith.select %ge3A_269, %sub3A_272, %get3A_266 : vector<16xi1>, vector<16xi32>
        %gather3A_274 = tpu.vector_load_idx %arg7[%select_n3A_273] : memref<51200xi32, #tpu.memory_space<vmem>>[vector<16xi32>], vector<16xi32>,
        %and3A_275 = arith.constant -65536 : i32
        %and3A_276 = vector.broadcast %and3A_275 : i32 to vector<16xi32>
        %and3A_277 = arith.andi %gather3A_274, %and3A_276 : vector<16xi32>
        %shift_left3A_278 = arith.constant 16 : i32
        %shift_left3A_279 = vector.broadcast %shift_left3A_278 : i32 to vector<16xi32>
        %shift_left3A_280 = arith.shli %gather3A_274, %shift_left3A_279 : vector<16xi32>
        %select_n3A_281 = arith.select %ge3A_269, %and3A_277, %shift_left3A_280 : vector<16xi1>, vector<16xi32>
        %bitcast3A_282 = vector.bitcast %select_n3A_281 : vector<16xi32> to vector<16xf32>
        %add3A_283 = arith.addf %add3A_257, %bitcast3A_282 : vector<16xf32>
        %mul3A_284 = arith.constant 16 : i32
        %mul3A_285 = arith.muli %scan3A_119, %mul3A_284 : i32
        %get3A_286 = arith.constant 0 : i32
        %get3A_287 = arith.constant 6 : i32
        %get3A_288 = arith.index_cast %get3A_286 : i32 to index
        %get3A_289 = arith.index_cast %scan3A_133 : i32 to index
        %get3A_290 = arith.index_cast %get3A_287 : i32 to index
        %get3A_291 = arith.index_cast %mul3A_285 : i32 to index
        %get3A_292 = tpu.vector_load %arg8[%get3A_288, %get3A_289, %get3A_290, %get3A_291] {strides = array<i32>} : memref<2x25x8x128xi32, #tpu.memory_space<vmem>>, vector<16xi32>,
        %ge3A_293 = arith.constant 51200 : i32
        %ge3A_294 = vector.broadcast %ge3A_293 : i32 to vector<16xi32>
        %ge3A_295 = arith.cmpi sge, %get3A_292, %ge3A_294 : vector<16xi32>
        %sub3A_296 = arith.constant 51200 : i32
        %sub3A_297 = vector.broadcast %sub3A_296 : i32 to vector<16xi32>
        %sub3A_298 = arith.subi %get3A_292, %sub3A_297 : vector<16xi32>
        %select_n3A_299 = arith.select %ge3A_295, %sub3A_298, %get3A_292 : vector<16xi1>, vector<16xi32>
        %gather3A_300 = tpu.vector_load_idx %arg7[%select_n3A_299] : memref<51200xi32, #tpu.memory_space<vmem>>[vector<16xi32>], vector<16xi32>,
        %and3A_301 = arith.constant -65536 : i32
        %and3A_302 = vector.broadcast %and3A_301 : i32 to vector<16xi32>
        %and3A_303 = arith.andi %gather3A_300, %and3A_302 : vector<16xi32>
        %shift_left3A_304 = arith.constant 16 : i32
        %shift_left3A_305 = vector.broadcast %shift_left3A_304 : i32 to vector<16xi32>
        %shift_left3A_306 = arith.shli %gather3A_300, %shift_left3A_305 : vector<16xi32>
        %select_n3A_307 = arith.select %ge3A_295, %and3A_303, %shift_left3A_306 : vector<16xi1>, vector<16xi32>
        %bitcast3A_308 = vector.bitcast %select_n3A_307 : vector<16xi32> to vector<16xf32>
        %add3A_309 = arith.addf %add3A_283, %bitcast3A_308 : vector<16xf32>
        %mul3A_310 = arith.constant 16 : i32
        %mul3A_311 = arith.muli %scan3A_119, %mul3A_310 : i32
        %get3A_312 = arith.constant 0 : i32
        %get3A_313 = arith.constant 7 : i32
        %get3A_314 = arith.index_cast %get3A_312 : i32 to index
        %get3A_315 = arith.index_cast %scan3A_133 : i32 to index
        %get3A_316 = arith.index_cast %get3A_313 : i32 to index
        %get3A_317 = arith.index_cast %mul3A_311 : i32 to index
        %get3A_318 = tpu.vector_load %arg8[%get3A_314, %get3A_315, %get3A_316, %get3A_317] {strides = array<i32>} : memref<2x25x8x128xi32, #tpu.memory_space<vmem>>, vector<16xi32>,
        %ge3A_319 = arith.constant 51200 : i32
        %ge3A_320 = vector.broadcast %ge3A_319 : i32 to vector<16xi32>
        %ge3A_321 = arith.cmpi sge, %get3A_318, %ge3A_320 : vector<16xi32>
        %sub3A_322 = arith.constant 51200 : i32
        %sub3A_323 = vector.broadcast %sub3A_322 : i32 to vector<16xi32>
        %sub3A_324 = arith.subi %get3A_318, %sub3A_323 : vector<16xi32>
        %select_n3A_325 = arith.select %ge3A_321, %sub3A_324, %get3A_318 : vector<16xi1>, vector<16xi32>
        %gather3A_326 = tpu.vector_load_idx %arg7[%select_n3A_325] : memref<51200xi32, #tpu.memory_space<vmem>>[vector<16xi32>], vector<16xi32>,
        %and3A_327 = arith.constant -65536 : i32
        %and3A_328 = vector.broadcast %and3A_327 : i32 to vector<16xi32>
        %and3A_329 = arith.andi %gather3A_326, %and3A_328 : vector<16xi32>
        %shift_left3A_330 = arith.constant 16 : i32
        %shift_left3A_331 = vector.broadcast %shift_left3A_330 : i32 to vector<16xi32>
        %shift_left3A_332 = arith.shli %gather3A_326, %shift_left3A_331 : vector<16xi32>
        %select_n3A_333 = arith.select %ge3A_321, %and3A_329, %shift_left3A_332 : vector<16xi1>, vector<16xi32>
        %bitcast3A_334 = vector.bitcast %select_n3A_333 : vector<16xi32> to vector<16xf32>
        %add3A_335 = arith.addf %add3A_309, %bitcast3A_334 : vector<16xf32>
        scf.yield %add3A_335 : vector<16xf32>
      }
      %scan3A_126 = arith.constant 25 : i32
      %mul3A_127 = arith.constant 16 : i32
      %mul3A_128 = arith.muli %scan3A_119, %mul3A_127 : i32
      %add3A_129 = arith.constant 0 : i32
      %add3A_130 = arith.addi %add3A_129, %mul3A_128 : i32
      %swap3A = arith.index_cast %add3A_130 : i32 to index
      %swap3A_131 = tpu.vector_load %arg9[%swap3A] {strides = array<i32>} : memref<256xf32, #tpu.memory_space<vmem>>, vector<16xf32>,
      tpu.vector_store %arg9[%swap3A], %scan3A_125 {strides = array<i32>} : memref<256xf32, #tpu.memory_space<vmem>>, vector<16xf32>,
      %scan3A_132 = arith.constant 0 : i32
      scf.yield %scan3A_132 : i32
    }
    %scan3A_82 = arith.constant 8 : i32
    %mul3A_83 = arith.constant 2 : i32
    %mul3A_84 = arith.muli %mul3A_83, %arg1 : i32
    %add3A_85 = arith.constant 0 : i32
    %add3A_86 = arith.addi %mul3A_84, %add3A_85 : i32
    "tpu.region"() ({
      %run_scoped3A = tpu.sem_alloc : memref<!tpu.dma_semaphore, #tpu.memory_space<semaphore_mem>>
      %dma_start3A_119 = arith.constant 0 : i32
      %dma_start3A_120 = tpu.memref_slice %arg9[%dma_start3A_119] : memref<256xf32, #tpu.memory_space<vmem>> -> memref<128xf32, #tpu.memory_space<vmem>>
      %dma_start3A_121 = arith.constant 0 : i32
      %dma_start3A_122 = tpu.memref_slice %arg6[%add3A_86, %arg0, %dma_start3A_121] : memref<32x2x128xf32, #tpu.memory_space<hbm>> -> memref<1x1x128xf32, #tpu.memory_space<hbm>>
      %dma_start3A_123 = tpu.memref_squeeze %dma_start3A_122 : memref<1x1x128xf32, #tpu.memory_space<hbm>> -> memref<128xf32, #tpu.memory_space<hbm>>
      %dma_start3A_124 = arith.constant 0 : i32
      %dma_start3A_125 = tpu.memref_slice %arg6[%add3A_86, %arg0, %dma_start3A_124] : memref<32x2x128xf32, #tpu.memory_space<hbm>> -> memref<1x1x128xf32, #tpu.memory_space<hbm>>
      %dma_start3A_126 = tpu.memref_squeeze %dma_start3A_125 : memref<1x1x128xf32, #tpu.memory_space<hbm>> -> memref<128xf32, #tpu.memory_space<hbm>>
      %dma_start3A_127 = arith.constant 0 : i32
      %dma_start3A_128 = tpu.memref_slice %arg9[%dma_start3A_127] : memref<256xf32, #tpu.memory_space<vmem>> -> memref<128xf32, #tpu.memory_space<vmem>>
      tpu.enqueue_dma source(%dma_start3A_128 : memref<128xf32, #tpu.memory_space<vmem>>) target(%dma_start3A_126 : memref<128xf32, #tpu.memory_space<hbm>>) target_semaphore(%run_scoped3A : memref<!tpu.dma_semaphore, #tpu.memory_space<semaphore_mem>>)
      %dma_wait3A_129 = arith.constant 0 : i32
      %dma_wait3A_130 = tpu.memref_slice %arg9[%dma_wait3A_129] : memref<256xf32, #tpu.memory_space<vmem>> -> memref<128xf32, #tpu.memory_space<vmem>>
      %dma_wait3A_131 = arith.constant 0 : i32
      %dma_wait3A_132 = tpu.memref_slice %arg6[%add3A_86, %arg0, %dma_wait3A_131] : memref<32x2x128xf32, #tpu.memory_space<hbm>> -> memref<1x1x128xf32, #tpu.memory_space<hbm>>
      %dma_wait3A_133 = tpu.memref_squeeze %dma_wait3A_132 : memref<1x1x128xf32, #tpu.memory_space<hbm>> -> memref<128xf32, #tpu.memory_space<hbm>>
      %dma_wait3A_134 = arith.constant 0 : i32
      %dma_wait3A_135 = tpu.memref_slice %arg6[%add3A_86, %arg0, %dma_wait3A_134] : memref<32x2x128xf32, #tpu.memory_space<hbm>> -> memref<1x1x128xf32, #tpu.memory_space<hbm>>
      %dma_wait3A_136 = tpu.memref_squeeze %dma_wait3A_135 : memref<1x1x128xf32, #tpu.memory_space<hbm>> -> memref<128xf32, #tpu.memory_space<hbm>>
      %dma_wait3A_137 = arith.constant 0 : i32
      %dma_wait3A_138 = tpu.memref_slice %arg9[%dma_wait3A_137] : memref<256xf32, #tpu.memory_space<vmem>> -> memref<128xf32, #tpu.memory_space<vmem>>
      tpu.wait_dma2 semaphore(%run_scoped3A : memref<!tpu.dma_semaphore, #tpu.memory_space<semaphore_mem>>) src(%dma_wait3A_138 : memref<128xf32, #tpu.memory_space<vmem>>) dst(%dma_wait3A_136 : memref<128xf32, #tpu.memory_space<hbm>>)
      tpu.yield
    }) : () -> ()
    %dma_wait3A_87 = arith.constant 1 : i32
    %dma_wait3A_88 = arith.constant 0 : i32
    %dma_wait3A_89 = arith.constant 0 : i32
    %dma_wait3A_90 = arith.constant 0 : i32
    %dma_wait3A_91 = tpu.memref_slice %arg8[%dma_wait3A_87, %dma_wait3A_88, %dma_wait3A_89, %dma_wait3A_90] : memref<2x25x8x128xi32, #tpu.memory_space<vmem>> -> memref<1x25x8x128xi32, #tpu.memory_space<vmem>>
    %dma_wait3A_92 = tpu.memref_squeeze %dma_wait3A_91 : memref<1x25x8x128xi32, #tpu.memory_space<vmem>> -> memref<25x8x128xi32, #tpu.memory_space<vmem>>
    %dma_wait3A_93 = arith.constant 0 : i32
    %dma_wait3A_94 = arith.constant 0 : i32
    %dma_wait3A_95 = arith.constant 0 : i32
    %dma_wait3A_96 = tpu.memref_slice %arg4[%dma_wait3A_93, %add3A_35, %dma_wait3A_94, %dma_wait3A_95] : memref<25x32x8x128xi32, #tpu.memory_space<hbm>> -> memref<25x1x8x128xi32, #tpu.memory_space<hbm>>
    %dma_wait3A_97 = tpu.memref_squeeze %dma_wait3A_96 : memref<25x1x8x128xi32, #tpu.memory_space<hbm>> -> memref<25x8x128xi32, #tpu.memory_space<hbm>>
    %dma_wait3A_98 = arith.constant 0 : i32
    %dma_wait3A_99 = arith.constant 0 : i32
    %dma_wait3A_100 = arith.constant 0 : i32
    %dma_wait3A_101 = tpu.memref_slice %arg8[%dma_wait3A_87, %dma_wait3A_98, %dma_wait3A_99, %dma_wait3A_100] : memref<2x25x8x128xi32, #tpu.memory_space<vmem>> -> memref<1x25x8x128xi32, #tpu.memory_space<vmem>>
    %dma_wait3A_102 = tpu.memref_squeeze %dma_wait3A_101 : memref<1x25x8x128xi32, #tpu.memory_space<vmem>> -> memref<25x8x128xi32, #tpu.memory_space<vmem>>
    %dma_wait3A_103 = arith.constant 0 : i32
    %dma_wait3A_104 = arith.constant 0 : i32
    %dma_wait3A_105 = arith.constant 0 : i32
    %dma_wait3A_106 = tpu.memref_slice %arg4[%dma_wait3A_103, %add3A_35, %dma_wait3A_104, %dma_wait3A_105] : memref<25x32x8x128xi32, #tpu.memory_space<hbm>> -> memref<25x1x8x128xi32, #tpu.memory_space<hbm>>
    %dma_wait3A_107 = tpu.memref_squeeze %dma_wait3A_106 : memref<25x1x8x128xi32, #tpu.memory_space<hbm>> -> memref<25x8x128xi32, #tpu.memory_space<hbm>>
    tpu.wait_dma2 semaphore(%arg13 : memref<!tpu.dma_semaphore, #tpu.memory_space<semaphore_mem>>) src(%dma_wait3A_107 : memref<25x8x128xi32, #tpu.memory_space<hbm>>) dst(%dma_wait3A_102 : memref<25x8x128xi32, #tpu.memory_space<vmem>>)
    %scan3A_108 = arith.constant 0 : i32
    %scan3A_109 = arith.constant 0 : i32
    %scan3A_110 = arith.constant 8 : i32
    %scan3A_111 = arith.addi %scan3A_109, %scan3A_110 : i32
    %scan3A_112 = arith.constant 1 : i32
    %scan3A_113 = scf.for %scan3A_119 = %scan3A_109 to %scan3A_111 step %scan3A_112 iter_args(%scan3A_120 = %scan3A_108) -> (i32)  : i32 {
      %scan3A_121 = arith.constant 0 : i32
      %scan3A_122 = arith.constant 25 : i32
      %scan3A_123 = arith.addi %scan3A_121, %scan3A_122 : i32
      %scan3A_124 = arith.constant 1 : i32
      %scan3A_125 = scf.for %scan3A_133 = %scan3A_121 to %scan3A_123 step %scan3A_124 iter_args(%scan3A_134 = %gather3A) -> (vector<16xf32>)  : i32 {
        %mul3A_135 = arith.constant 16 : i32
        %mul3A_136 = arith.muli %scan3A_119, %mul3A_135 : i32
        %get3A = arith.constant 1 : i32
        %get3A_137 = arith.constant 0 : i32
        %get3A_138 = arith.index_cast %get3A : i32 to index
        %get3A_139 = arith.index_cast %scan3A_133 : i32 to index
        %get3A_140 = arith.index_cast %get3A_137 : i32 to index
        %get3A_141 = arith.index_cast %mul3A_136 : i32 to index
        %get3A_142 = tpu.vector_load %arg8[%get3A_138, %get3A_139, %get3A_140, %get3A_141] {strides = array<i32>} : memref<2x25x8x128xi32, #tpu.memory_space<vmem>>, vector<16xi32>,
        %ge3A = arith.constant 51200 : i32
        %ge3A_143 = vector.broadcast %ge3A : i32 to vector<16xi32>
        %ge3A_144 = arith.cmpi sge, %get3A_142, %ge3A_143 : vector<16xi32>
        %sub3A = arith.constant 51200 : i32
        %sub3A_145 = vector.broadcast %sub3A : i32 to vector<16xi32>
        %sub3A_146 = arith.subi %get3A_142, %sub3A_145 : vector<16xi32>
        %select_n3A = arith.select %ge3A_144, %sub3A_146, %get3A_142 : vector<16xi1>, vector<16xi32>
        %gather3A_147 = tpu.vector_load_idx %arg7[%select_n3A] : memref<51200xi32, #tpu.memory_space<vmem>>[vector<16xi32>], vector<16xi32>,
        %and3A = arith.constant -65536 : i32
        %and3A_148 = vector.broadcast %and3A : i32 to vector<16xi32>
        %and3A_149 = arith.andi %gather3A_147, %and3A_148 : vector<16xi32>
        %shift_left3A = arith.constant 16 : i32
        %shift_left3A_150 = vector.broadcast %shift_left3A : i32 to vector<16xi32>
        %shift_left3A_151 = arith.shli %gather3A_147, %shift_left3A_150 : vector<16xi32>
        %select_n3A_152 = arith.select %ge3A_144, %and3A_149, %shift_left3A_151 : vector<16xi1>, vector<16xi32>
        %bitcast3A = vector.bitcast %select_n3A_152 : vector<16xi32> to vector<16xf32>
        %add3A_153 = arith.addf %scan3A_134, %bitcast3A : vector<16xf32>
        %mul3A_154 = arith.constant 16 : i32
        %mul3A_155 = arith.muli %scan3A_119, %mul3A_154 : i32
        %get3A_156 = arith.constant 1 : i32
        %get3A_157 = arith.constant 1 : i32
        %get3A_158 = arith.index_cast %get3A_156 : i32 to index
        %get3A_159 = arith.index_cast %scan3A_133 : i32 to index
        %get3A_160 = arith.index_cast %get3A_157 : i32 to index
        %get3A_161 = arith.index_cast %mul3A_155 : i32 to index
        %get3A_162 = tpu.vector_load %arg8[%get3A_158, %get3A_159, %get3A_160, %get3A_161] {strides = array<i32>} : memref<2x25x8x128xi32, #tpu.memory_space<vmem>>, vector<16xi32>,
        %ge3A_163 = arith.constant 51200 : i32
        %ge3A_164 = vector.broadcast %ge3A_163 : i32 to vector<16xi32>
        %ge3A_165 = arith.cmpi sge, %get3A_162, %ge3A_164 : vector<16xi32>
        %sub3A_166 = arith.constant 51200 : i32
        %sub3A_167 = vector.broadcast %sub3A_166 : i32 to vector<16xi32>
        %sub3A_168 = arith.subi %get3A_162, %sub3A_167 : vector<16xi32>
        %select_n3A_169 = arith.select %ge3A_165, %sub3A_168, %get3A_162 : vector<16xi1>, vector<16xi32>
        %gather3A_170 = tpu.vector_load_idx %arg7[%select_n3A_169] : memref<51200xi32, #tpu.memory_space<vmem>>[vector<16xi32>], vector<16xi32>,
        %and3A_171 = arith.constant -65536 : i32
        %and3A_172 = vector.broadcast %and3A_171 : i32 to vector<16xi32>
        %and3A_173 = arith.andi %gather3A_170, %and3A_172 : vector<16xi32>
        %shift_left3A_174 = arith.constant 16 : i32
        %shift_left3A_175 = vector.broadcast %shift_left3A_174 : i32 to vector<16xi32>
        %shift_left3A_176 = arith.shli %gather3A_170, %shift_left3A_175 : vector<16xi32>
        %select_n3A_177 = arith.select %ge3A_165, %and3A_173, %shift_left3A_176 : vector<16xi1>, vector<16xi32>
        %bitcast3A_178 = vector.bitcast %select_n3A_177 : vector<16xi32> to vector<16xf32>
        %add3A_179 = arith.addf %add3A_153, %bitcast3A_178 : vector<16xf32>
        %mul3A_180 = arith.constant 16 : i32
        %mul3A_181 = arith.muli %scan3A_119, %mul3A_180 : i32
        %get3A_182 = arith.constant 1 : i32
        %get3A_183 = arith.constant 2 : i32
        %get3A_184 = arith.index_cast %get3A_182 : i32 to index
        %get3A_185 = arith.index_cast %scan3A_133 : i32 to index
        %get3A_186 = arith.index_cast %get3A_183 : i32 to index
        %get3A_187 = arith.index_cast %mul3A_181 : i32 to index
        %get3A_188 = tpu.vector_load %arg8[%get3A_184, %get3A_185, %get3A_186, %get3A_187] {strides = array<i32>} : memref<2x25x8x128xi32, #tpu.memory_space<vmem>>, vector<16xi32>,
        %ge3A_189 = arith.constant 51200 : i32
        %ge3A_190 = vector.broadcast %ge3A_189 : i32 to vector<16xi32>
        %ge3A_191 = arith.cmpi sge, %get3A_188, %ge3A_190 : vector<16xi32>
        %sub3A_192 = arith.constant 51200 : i32
        %sub3A_193 = vector.broadcast %sub3A_192 : i32 to vector<16xi32>
        %sub3A_194 = arith.subi %get3A_188, %sub3A_193 : vector<16xi32>
        %select_n3A_195 = arith.select %ge3A_191, %sub3A_194, %get3A_188 : vector<16xi1>, vector<16xi32>
        %gather3A_196 = tpu.vector_load_idx %arg7[%select_n3A_195] : memref<51200xi32, #tpu.memory_space<vmem>>[vector<16xi32>], vector<16xi32>,
        %and3A_197 = arith.constant -65536 : i32
        %and3A_198 = vector.broadcast %and3A_197 : i32 to vector<16xi32>
        %and3A_199 = arith.andi %gather3A_196, %and3A_198 : vector<16xi32>
        %shift_left3A_200 = arith.constant 16 : i32
        %shift_left3A_201 = vector.broadcast %shift_left3A_200 : i32 to vector<16xi32>
        %shift_left3A_202 = arith.shli %gather3A_196, %shift_left3A_201 : vector<16xi32>
        %select_n3A_203 = arith.select %ge3A_191, %and3A_199, %shift_left3A_202 : vector<16xi1>, vector<16xi32>
        %bitcast3A_204 = vector.bitcast %select_n3A_203 : vector<16xi32> to vector<16xf32>
        %add3A_205 = arith.addf %add3A_179, %bitcast3A_204 : vector<16xf32>
        %mul3A_206 = arith.constant 16 : i32
        %mul3A_207 = arith.muli %scan3A_119, %mul3A_206 : i32
        %get3A_208 = arith.constant 1 : i32
        %get3A_209 = arith.constant 3 : i32
        %get3A_210 = arith.index_cast %get3A_208 : i32 to index
        %get3A_211 = arith.index_cast %scan3A_133 : i32 to index
        %get3A_212 = arith.index_cast %get3A_209 : i32 to index
        %get3A_213 = arith.index_cast %mul3A_207 : i32 to index
        %get3A_214 = tpu.vector_load %arg8[%get3A_210, %get3A_211, %get3A_212, %get3A_213] {strides = array<i32>} : memref<2x25x8x128xi32, #tpu.memory_space<vmem>>, vector<16xi32>,
        %ge3A_215 = arith.constant 51200 : i32
        %ge3A_216 = vector.broadcast %ge3A_215 : i32 to vector<16xi32>
        %ge3A_217 = arith.cmpi sge, %get3A_214, %ge3A_216 : vector<16xi32>
        %sub3A_218 = arith.constant 51200 : i32
        %sub3A_219 = vector.broadcast %sub3A_218 : i32 to vector<16xi32>
        %sub3A_220 = arith.subi %get3A_214, %sub3A_219 : vector<16xi32>
        %select_n3A_221 = arith.select %ge3A_217, %sub3A_220, %get3A_214 : vector<16xi1>, vector<16xi32>
        %gather3A_222 = tpu.vector_load_idx %arg7[%select_n3A_221] : memref<51200xi32, #tpu.memory_space<vmem>>[vector<16xi32>], vector<16xi32>,
        %and3A_223 = arith.constant -65536 : i32
        %and3A_224 = vector.broadcast %and3A_223 : i32 to vector<16xi32>
        %and3A_225 = arith.andi %gather3A_222, %and3A_224 : vector<16xi32>
        %shift_left3A_226 = arith.constant 16 : i32
        %shift_left3A_227 = vector.broadcast %shift_left3A_226 : i32 to vector<16xi32>
        %shift_left3A_228 = arith.shli %gather3A_222, %shift_left3A_227 : vector<16xi32>
        %select_n3A_229 = arith.select %ge3A_217, %and3A_225, %shift_left3A_228 : vector<16xi1>, vector<16xi32>
        %bitcast3A_230 = vector.bitcast %select_n3A_229 : vector<16xi32> to vector<16xf32>
        %add3A_231 = arith.addf %add3A_205, %bitcast3A_230 : vector<16xf32>
        %mul3A_232 = arith.constant 16 : i32
        %mul3A_233 = arith.muli %scan3A_119, %mul3A_232 : i32
        %get3A_234 = arith.constant 1 : i32
        %get3A_235 = arith.constant 4 : i32
        %get3A_236 = arith.index_cast %get3A_234 : i32 to index
        %get3A_237 = arith.index_cast %scan3A_133 : i32 to index
        %get3A_238 = arith.index_cast %get3A_235 : i32 to index
        %get3A_239 = arith.index_cast %mul3A_233 : i32 to index
        %get3A_240 = tpu.vector_load %arg8[%get3A_236, %get3A_237, %get3A_238, %get3A_239] {strides = array<i32>} : memref<2x25x8x128xi32, #tpu.memory_space<vmem>>, vector<16xi32>,
        %ge3A_241 = arith.constant 51200 : i32
        %ge3A_242 = vector.broadcast %ge3A_241 : i32 to vector<16xi32>
        %ge3A_243 = arith.cmpi sge, %get3A_240, %ge3A_242 : vector<16xi32>
        %sub3A_244 = arith.constant 51200 : i32
        %sub3A_245 = vector.broadcast %sub3A_244 : i32 to vector<16xi32>
        %sub3A_246 = arith.subi %get3A_240, %sub3A_245 : vector<16xi32>
        %select_n3A_247 = arith.select %ge3A_243, %sub3A_246, %get3A_240 : vector<16xi1>, vector<16xi32>
        %gather3A_248 = tpu.vector_load_idx %arg7[%select_n3A_247] : memref<51200xi32, #tpu.memory_space<vmem>>[vector<16xi32>], vector<16xi32>,
        %and3A_249 = arith.constant -65536 : i32
        %and3A_250 = vector.broadcast %and3A_249 : i32 to vector<16xi32>
        %and3A_251 = arith.andi %gather3A_248, %and3A_250 : vector<16xi32>
        %shift_left3A_252 = arith.constant 16 : i32
        %shift_left3A_253 = vector.broadcast %shift_left3A_252 : i32 to vector<16xi32>
        %shift_left3A_254 = arith.shli %gather3A_248, %shift_left3A_253 : vector<16xi32>
        %select_n3A_255 = arith.select %ge3A_243, %and3A_251, %shift_left3A_254 : vector<16xi1>, vector<16xi32>
        %bitcast3A_256 = vector.bitcast %select_n3A_255 : vector<16xi32> to vector<16xf32>
        %add3A_257 = arith.addf %add3A_231, %bitcast3A_256 : vector<16xf32>
        %mul3A_258 = arith.constant 16 : i32
        %mul3A_259 = arith.muli %scan3A_119, %mul3A_258 : i32
        %get3A_260 = arith.constant 1 : i32
        %get3A_261 = arith.constant 5 : i32
        %get3A_262 = arith.index_cast %get3A_260 : i32 to index
        %get3A_263 = arith.index_cast %scan3A_133 : i32 to index
        %get3A_264 = arith.index_cast %get3A_261 : i32 to index
        %get3A_265 = arith.index_cast %mul3A_259 : i32 to index
        %get3A_266 = tpu.vector_load %arg8[%get3A_262, %get3A_263, %get3A_264, %get3A_265] {strides = array<i32>} : memref<2x25x8x128xi32, #tpu.memory_space<vmem>>, vector<16xi32>,
        %ge3A_267 = arith.constant 51200 : i32
        %ge3A_268 = vector.broadcast %ge3A_267 : i32 to vector<16xi32>
        %ge3A_269 = arith.cmpi sge, %get3A_266, %ge3A_268 : vector<16xi32>
        %sub3A_270 = arith.constant 51200 : i32
        %sub3A_271 = vector.broadcast %sub3A_270 : i32 to vector<16xi32>
        %sub3A_272 = arith.subi %get3A_266, %sub3A_271 : vector<16xi32>
        %select_n3A_273 = arith.select %ge3A_269, %sub3A_272, %get3A_266 : vector<16xi1>, vector<16xi32>
        %gather3A_274 = tpu.vector_load_idx %arg7[%select_n3A_273] : memref<51200xi32, #tpu.memory_space<vmem>>[vector<16xi32>], vector<16xi32>,
        %and3A_275 = arith.constant -65536 : i32
        %and3A_276 = vector.broadcast %and3A_275 : i32 to vector<16xi32>
        %and3A_277 = arith.andi %gather3A_274, %and3A_276 : vector<16xi32>
        %shift_left3A_278 = arith.constant 16 : i32
        %shift_left3A_279 = vector.broadcast %shift_left3A_278 : i32 to vector<16xi32>
        %shift_left3A_280 = arith.shli %gather3A_274, %shift_left3A_279 : vector<16xi32>
        %select_n3A_281 = arith.select %ge3A_269, %and3A_277, %shift_left3A_280 : vector<16xi1>, vector<16xi32>
        %bitcast3A_282 = vector.bitcast %select_n3A_281 : vector<16xi32> to vector<16xf32>
        %add3A_283 = arith.addf %add3A_257, %bitcast3A_282 : vector<16xf32>
        %mul3A_284 = arith.constant 16 : i32
        %mul3A_285 = arith.muli %scan3A_119, %mul3A_284 : i32
        %get3A_286 = arith.constant 1 : i32
        %get3A_287 = arith.constant 6 : i32
        %get3A_288 = arith.index_cast %get3A_286 : i32 to index
        %get3A_289 = arith.index_cast %scan3A_133 : i32 to index
        %get3A_290 = arith.index_cast %get3A_287 : i32 to index
        %get3A_291 = arith.index_cast %mul3A_285 : i32 to index
        %get3A_292 = tpu.vector_load %arg8[%get3A_288, %get3A_289, %get3A_290, %get3A_291] {strides = array<i32>} : memref<2x25x8x128xi32, #tpu.memory_space<vmem>>, vector<16xi32>,
        %ge3A_293 = arith.constant 51200 : i32
        %ge3A_294 = vector.broadcast %ge3A_293 : i32 to vector<16xi32>
        %ge3A_295 = arith.cmpi sge, %get3A_292, %ge3A_294 : vector<16xi32>
        %sub3A_296 = arith.constant 51200 : i32
        %sub3A_297 = vector.broadcast %sub3A_296 : i32 to vector<16xi32>
        %sub3A_298 = arith.subi %get3A_292, %sub3A_297 : vector<16xi32>
        %select_n3A_299 = arith.select %ge3A_295, %sub3A_298, %get3A_292 : vector<16xi1>, vector<16xi32>
        %gather3A_300 = tpu.vector_load_idx %arg7[%select_n3A_299] : memref<51200xi32, #tpu.memory_space<vmem>>[vector<16xi32>], vector<16xi32>,
        %and3A_301 = arith.constant -65536 : i32
        %and3A_302 = vector.broadcast %and3A_301 : i32 to vector<16xi32>
        %and3A_303 = arith.andi %gather3A_300, %and3A_302 : vector<16xi32>
        %shift_left3A_304 = arith.constant 16 : i32
        %shift_left3A_305 = vector.broadcast %shift_left3A_304 : i32 to vector<16xi32>
        %shift_left3A_306 = arith.shli %gather3A_300, %shift_left3A_305 : vector<16xi32>
        %select_n3A_307 = arith.select %ge3A_295, %and3A_303, %shift_left3A_306 : vector<16xi1>, vector<16xi32>
        %bitcast3A_308 = vector.bitcast %select_n3A_307 : vector<16xi32> to vector<16xf32>
        %add3A_309 = arith.addf %add3A_283, %bitcast3A_308 : vector<16xf32>
        %mul3A_310 = arith.constant 16 : i32
        %mul3A_311 = arith.muli %scan3A_119, %mul3A_310 : i32
        %get3A_312 = arith.constant 1 : i32
        %get3A_313 = arith.constant 7 : i32
        %get3A_314 = arith.index_cast %get3A_312 : i32 to index
        %get3A_315 = arith.index_cast %scan3A_133 : i32 to index
        %get3A_316 = arith.index_cast %get3A_313 : i32 to index
        %get3A_317 = arith.index_cast %mul3A_311 : i32 to index
        %get3A_318 = tpu.vector_load %arg8[%get3A_314, %get3A_315, %get3A_316, %get3A_317] {strides = array<i32>} : memref<2x25x8x128xi32, #tpu.memory_space<vmem>>, vector<16xi32>,
        %ge3A_319 = arith.constant 51200 : i32
        %ge3A_320 = vector.broadcast %ge3A_319 : i32 to vector<16xi32>
        %ge3A_321 = arith.cmpi sge, %get3A_318, %ge3A_320 : vector<16xi32>
        %sub3A_322 = arith.constant 51200 : i32
        %sub3A_323 = vector.broadcast %sub3A_322 : i32 to vector<16xi32>
        %sub3A_324 = arith.subi %get3A_318, %sub3A_323 : vector<16xi32>
        %select_n3A_325 = arith.select %ge3A_321, %sub3A_324, %get3A_318 : vector<16xi1>, vector<16xi32>
        %gather3A_326 = tpu.vector_load_idx %arg7[%select_n3A_325] : memref<51200xi32, #tpu.memory_space<vmem>>[vector<16xi32>], vector<16xi32>,
        %and3A_327 = arith.constant -65536 : i32
        %and3A_328 = vector.broadcast %and3A_327 : i32 to vector<16xi32>
        %and3A_329 = arith.andi %gather3A_326, %and3A_328 : vector<16xi32>
        %shift_left3A_330 = arith.constant 16 : i32
        %shift_left3A_331 = vector.broadcast %shift_left3A_330 : i32 to vector<16xi32>
        %shift_left3A_332 = arith.shli %gather3A_326, %shift_left3A_331 : vector<16xi32>
        %select_n3A_333 = arith.select %ge3A_321, %and3A_329, %shift_left3A_332 : vector<16xi1>, vector<16xi32>
        %bitcast3A_334 = vector.bitcast %select_n3A_333 : vector<16xi32> to vector<16xf32>
        %add3A_335 = arith.addf %add3A_309, %bitcast3A_334 : vector<16xf32>
        scf.yield %add3A_335 : vector<16xf32>
      }
      %scan3A_126 = arith.constant 25 : i32
      %mul3A_127 = arith.constant 16 : i32
      %mul3A_128 = arith.muli %scan3A_119, %mul3A_127 : i32
      %add3A_129 = arith.constant 128 : i32
      %add3A_130 = arith.addi %add3A_129, %mul3A_128 : i32
      %swap3A = arith.index_cast %add3A_130 : i32 to index
      %swap3A_131 = tpu.vector_load %arg9[%swap3A] {strides = array<i32>} : memref<256xf32, #tpu.memory_space<vmem>>, vector<16xf32>,
      tpu.vector_store %arg9[%swap3A], %scan3A_125 {strides = array<i32>} : memref<256xf32, #tpu.memory_space<vmem>>, vector<16xf32>,
      %scan3A_132 = arith.constant 0 : i32
      scf.yield %scan3A_132 : i32
    }
    %scan3A_114 = arith.constant 8 : i32
    %mul3A_115 = arith.constant 2 : i32
    %mul3A_116 = arith.muli %mul3A_115, %arg1 : i32
    %add3A_117 = arith.constant 1 : i32
    %add3A_118 = arith.addi %mul3A_116, %add3A_117 : i32
    "tpu.region"() ({
      %run_scoped3A = tpu.sem_alloc : memref<!tpu.dma_semaphore, #tpu.memory_space<semaphore_mem>>
      %dma_start3A_119 = arith.constant 128 : i32
      %dma_start3A_120 = tpu.memref_slice %arg9[%dma_start3A_119] : memref<256xf32, #tpu.memory_space<vmem>> -> memref<128xf32, #tpu.memory_space<vmem>>
      %dma_start3A_121 = arith.constant 0 : i32
      %dma_start3A_122 = tpu.memref_slice %arg6[%add3A_118, %arg0, %dma_start3A_121] : memref<32x2x128xf32, #tpu.memory_space<hbm>> -> memref<1x1x128xf32, #tpu.memory_space<hbm>>
      %dma_start3A_123 = tpu.memref_squeeze %dma_start3A_122 : memref<1x1x128xf32, #tpu.memory_space<hbm>> -> memref<128xf32, #tpu.memory_space<hbm>>
      %dma_start3A_124 = arith.constant 0 : i32
      %dma_start3A_125 = tpu.memref_slice %arg6[%add3A_118, %arg0, %dma_start3A_124] : memref<32x2x128xf32, #tpu.memory_space<hbm>> -> memref<1x1x128xf32, #tpu.memory_space<hbm>>
      %dma_start3A_126 = tpu.memref_squeeze %dma_start3A_125 : memref<1x1x128xf32, #tpu.memory_space<hbm>> -> memref<128xf32, #tpu.memory_space<hbm>>
      %dma_start3A_127 = arith.constant 128 : i32
      %dma_start3A_128 = tpu.memref_slice %arg9[%dma_start3A_127] : memref<256xf32, #tpu.memory_space<vmem>> -> memref<128xf32, #tpu.memory_space<vmem>>
      tpu.enqueue_dma source(%dma_start3A_128 : memref<128xf32, #tpu.memory_space<vmem>>) target(%dma_start3A_126 : memref<128xf32, #tpu.memory_space<hbm>>) target_semaphore(%run_scoped3A : memref<!tpu.dma_semaphore, #tpu.memory_space<semaphore_mem>>)
      %dma_wait3A_129 = arith.constant 128 : i32
      %dma_wait3A_130 = tpu.memref_slice %arg9[%dma_wait3A_129] : memref<256xf32, #tpu.memory_space<vmem>> -> memref<128xf32, #tpu.memory_space<vmem>>
      %dma_wait3A_131 = arith.constant 0 : i32
      %dma_wait3A_132 = tpu.memref_slice %arg6[%add3A_118, %arg0, %dma_wait3A_131] : memref<32x2x128xf32, #tpu.memory_space<hbm>> -> memref<1x1x128xf32, #tpu.memory_space<hbm>>
      %dma_wait3A_133 = tpu.memref_squeeze %dma_wait3A_132 : memref<1x1x128xf32, #tpu.memory_space<hbm>> -> memref<128xf32, #tpu.memory_space<hbm>>
      %dma_wait3A_134 = arith.constant 0 : i32
      %dma_wait3A_135 = tpu.memref_slice %arg6[%add3A_118, %arg0, %dma_wait3A_134] : memref<32x2x128xf32, #tpu.memory_space<hbm>> -> memref<1x1x128xf32, #tpu.memory_space<hbm>>
      %dma_wait3A_136 = tpu.memref_squeeze %dma_wait3A_135 : memref<1x1x128xf32, #tpu.memory_space<hbm>> -> memref<128xf32, #tpu.memory_space<hbm>>
      %dma_wait3A_137 = arith.constant 128 : i32
      %dma_wait3A_138 = tpu.memref_slice %arg9[%dma_wait3A_137] : memref<256xf32, #tpu.memory_space<vmem>> -> memref<128xf32, #tpu.memory_space<vmem>>
      tpu.wait_dma2 semaphore(%run_scoped3A : memref<!tpu.dma_semaphore, #tpu.memory_space<semaphore_mem>>) src(%dma_wait3A_138 : memref<128xf32, #tpu.memory_space<vmem>>) dst(%dma_wait3A_136 : memref<128xf32, #tpu.memory_space<hbm>>)
      tpu.yield
    }) : () -> ()
    return
  }
}

module attributes {stable_mosaic.version = 14 : i64} {
  func.func @_project_body(%arg0: i32, %arg1: memref<64x5120xf32, #tpu.memory_space<vmem>>, %arg2: memref<64x5120xf32, #tpu.memory_space<vmem>>, %arg3: memref<2x64xf32, #tpu.memory_space<vmem>>, %arg4: memref<5120xi32, #tpu.memory_space<vmem>>, %arg5: memref<5120xi32, #tpu.memory_space<vmem>>) attributes {dimension_semantics = [#tpu.dimension_semantics<arbitrary>], iteration_bounds = array<i64: 10>, scalar_prefetch = 0 : i64, scratch_operands = 0 : i64, tpu.core_type = #tpu.core_type<tc>, window_params = [{transform_indices = @transform_0, window_bounds = array<i64: 64, 5120>}, {transform_indices = @transform_1, window_bounds = array<i64: 64, 5120>}, {pipeline_mode = #tpu.pipeline_mode<synchronous>, transform_indices = @transform_2, window_bounds = array<i64: 2, 64>}, {transform_indices = @transform_3, window_bounds = array<i64: 5120>}, {transform_indices = @transform_4, window_bounds = array<i64: 5120>}]} {
    %get3A = arith.constant 0 : index
    %get3A_0 = arith.constant 0 : index
    %get3A_1 = vector.load %arg1[%get3A, %get3A_0] : memref<64x5120xf32, #tpu.memory_space<vmem>>, vector<64x5120xf32>
    %get3A_2 = arith.constant 0 : index
    %get3A_3 = arith.constant 0 : index
    %get3A_4 = vector.load %arg2[%get3A_2, %get3A_3] : memref<64x5120xf32, #tpu.memory_space<vmem>>, vector<64x5120xf32>
    %concatenate3A = tpu.concatenate %get3A_1, %get3A_4 in 1 : vector<64x5120xf32>, vector<64x5120xf32> -> vector<64x10240xf32>
    %get3A_5 = arith.constant 0 : index
    %get3A_6 = arith.constant 0 : index
    %get3A_7 = vector.load %arg3[%get3A_5, %get3A_6] : memref<2x64xf32, #tpu.memory_space<vmem>>, vector<2x64xf32>
    %dot_general3A = arith.constant dense<0.000000e+00> : vector<2x10240xf32>
    %dot_general3A_8 = tpu.matmul %get3A_7, %concatenate3A, %dot_general3A {dimension_numbers = #tpu.dot_dimension_numbers<[1], [0], [0], [1], [0, 0, 1, 1], [], []>, transpose_lhs_hint = false} : vector<2x64xf32>, vector<64x10240xf32>, vector<2x10240xf32> -> vector<2x10240xf32>
    %iota3A = tpu.iota {dimensions = array<i32: 1>} : vector<2x10240xi32>
    %lt3A = arith.constant 5120 : i32
    %lt3A_9 = vector.broadcast %lt3A : i32 to vector<2x10240xi32>
    %lt3A_10 = arith.cmpi slt, %iota3A, %lt3A_9 : vector<2x10240xi32>
    %mul3A = arith.constant 5120 : i32
    %mul3A_11 = arith.muli %arg0, %mul3A : i32
    %add3A = vector.broadcast %mul3A_11 : i32 to vector<2x10240xi32>
    %add3A_12 = arith.addi %iota3A, %add3A : vector<2x10240xi32>
    %sub3A = arith.constant 5120 : i32
    %sub3A_13 = vector.broadcast %sub3A : i32 to vector<2x10240xi32>
    %sub3A_14 = arith.subi %iota3A, %sub3A_13 : vector<2x10240xi32>
    %mul3A_15 = arith.constant 5120 : i32
    %mul3A_16 = arith.muli %arg0, %mul3A_15 : i32
    %add3A_17 = vector.broadcast %mul3A_16 : i32 to vector<2x10240xi32>
    %add3A_18 = arith.addi %sub3A_14, %add3A_17 : vector<2x10240xi32>
    %add3A_19 = arith.constant 51200 : i32
    %add3A_20 = vector.broadcast %add3A_19 : i32 to vector<2x10240xi32>
    %add3A_21 = arith.addi %add3A_18, %add3A_20 : vector<2x10240xi32>
    %select_n3A = arith.select %lt3A_10, %add3A_12, %add3A_21 : vector<2x10240xi1>, vector<2x10240xi32>
    %mul3A_22 = arith.constant 5.000000e-03 : f32
    %mul3A_23 = vector.broadcast %mul3A_22 : f32 to vector<2x10240xf32>
    %mul3A_24 = arith.mulf %dot_general3A_8, %mul3A_23 : vector<2x10240xf32>
    %eq3A = arith.constant 0 : i32
    %eq3A_25 = vector.broadcast %eq3A : i32 to vector<2x10240xi32>
    %eq3A_26 = arith.cmpi eq, %select_n3A, %eq3A_25 : vector<2x10240xi32>
    %ge3A = arith.constant 100000 : i32
    %ge3A_27 = vector.broadcast %ge3A : i32 to vector<2x10240xi32>
    %ge3A_28 = arith.cmpi sge, %select_n3A, %ge3A_27 : vector<2x10240xi32>
    %or3A = arith.ori %eq3A_26, %ge3A_28 : vector<2x10240xi1>
    %jit3A = arith.constant 0.000000e+00 : f32
    %broadcast_in_dim3A = vector.broadcast %jit3A : f32 to vector<2x10240xf32>
    %select_n3A_29 = arith.select %or3A, %broadcast_in_dim3A, %mul3A_24 : vector<2x10240xi1>, vector<2x10240xf32>
    %convert_element_type3A = arith.truncf %select_n3A_29 : vector<2x10240xf32> to vector<2x10240xbf16>
    %bitcast_convert_type3A = tpu.bitcast %convert_element_type3A : vector<2x10240xbf16> -> vector<2x10240xi16>
    %convert_element_type3A_30 = arith.extui %bitcast_convert_type3A : vector<2x10240xi16> to vector<2x10240xi32>
    %slice3A = vector.extract_strided_slice %convert_element_type3A_30 {offsets = [0, 0], sizes = [2, 5120], strides = [1, 1]} : vector<2x10240xi32> to vector<2x5120xi32>
    %slice3A_31 = vector.extract_strided_slice %convert_element_type3A_30 {offsets = [0, 5120], sizes = [2, 5120], strides = [1, 1]} : vector<2x10240xi32> to vector<2x5120xi32>
    %shift_left3A = arith.constant 16 : i32
    %shift_left3A_32 = vector.broadcast %shift_left3A : i32 to vector<2x5120xi32>
    %shift_left3A_33 = arith.shli %slice3A_31, %shift_left3A_32 : vector<2x5120xi32>
    %or3A_34 = arith.ori %slice3A, %shift_left3A_33 : vector<2x5120xi32>
    %slice3A_35 = vector.extract_strided_slice %or3A_34 {offsets = [0, 0], sizes = [1, 5120], strides = [1, 1]} : vector<2x5120xi32> to vector<1x5120xi32>
    %squeeze3A = vector.shape_cast %slice3A_35 : vector<1x5120xi32> to vector<5120xi32>
    %swap3A = arith.constant 0 : index
    %swap3A_36 = vector.load %arg4[%swap3A] : memref<5120xi32, #tpu.memory_space<vmem>>, vector<5120xi32>
    tpu.vector_store %arg4[%swap3A], %squeeze3A {strides = array<i32>} : memref<5120xi32, #tpu.memory_space<vmem>>, vector<5120xi32>,
    %slice3A_37 = vector.extract_strided_slice %or3A_34 {offsets = [1, 0], sizes = [1, 5120], strides = [1, 1]} : vector<2x5120xi32> to vector<1x5120xi32>
    %squeeze3A_38 = vector.shape_cast %slice3A_37 : vector<1x5120xi32> to vector<5120xi32>
    %swap3A_39 = arith.constant 0 : index
    %swap3A_40 = vector.load %arg5[%swap3A_39] : memref<5120xi32, #tpu.memory_space<vmem>>, vector<5120xi32>
    tpu.vector_store %arg5[%swap3A_39], %squeeze3A_38 {strides = array<i32>} : memref<5120xi32, #tpu.memory_space<vmem>>, vector<5120xi32>,
    return
  }
  func.func @transform_0(%arg0: i32) -> (i32, i32) {
    %c0_i32 = arith.constant 0 : i32
    %c0_i32_0 = arith.constant 0 : i32
    return %c0_i32, %arg0 : i32, i32
  }
  func.func @transform_1(%arg0: i32) -> (i32, i32) {
    %add3A = arith.constant 10 : i32
    %add3A_0 = arith.addi %arg0, %add3A : i32
    %c0_i32 = arith.constant 0 : i32
    %c0_i32_1 = arith.constant 0 : i32
    return %c0_i32, %add3A_0 : i32, i32
  }
  func.func @transform_2(%arg0: i32) -> (i32, i32) {
    %c0_i32 = arith.constant 0 : i32
    %c0_i32_0 = arith.constant 0 : i32
    %c0_i32_1 = arith.constant 0 : i32
    return %c0_i32, %c0_i32_0 : i32, i32
  }
  func.func @transform_3(%arg0: i32) -> i32 {
    %c0_i32 = arith.constant 0 : i32
    return %arg0 : i32
  }
  func.func @transform_4(%arg0: i32) -> i32 {
    %c0_i32 = arith.constant 0 : i32
    return %arg0 : i32
  }
}

</mosaic_0001>

<sc_bundles>
// kernel: kernel.4.cloned.1.call-start
scs
__scs_entry_jumppad:
0x0: {  	(pc) =	sbr.rel $0x88, $3  }
0x1: {  	(tag) =	ssettag $0x0;
	lr =	simm.s32 $0x1  }
0x2: {  	[smem:$0x3F9D] =	sst lr;
	_ =	strace $0xD0000000  }
0x3: {  	_ = 	snop  }
0x4: {  	_ = 	snop  }
0x5: {  	_ = 	snop  }
0x6: {  	_ = 	snop  }
0x7: {  	_ = 	snop  }
__scs_overlays_trampoline_lowered:
0x8: {  	[smem:$0x3FAC] =	sst s0  }
0x9: {  	[smem:$0x3FAD] =	sst s1  }
0xa: {  	[smem:$0x3FAE] =	sst s2  }
0xb: {  	[smem:$0x3FAF] =	sst s3  }
0xc: {  	[smem:$0x3FB0] =	sst s4  }
0xd: {  	[smem:$0x3FB1] =	sst s5  }
0xe: {  	[smem:$0x3FB2] =	sst s6  }
0xf: {  	[smem:$0x3FB3] =	sst s7  }
0x10: {  	[smem:$0x3FB4] =	sst s8  }
0x11: {  	[smem:$0x3FB5] =	sst s9;
	s0 =	simm.s32 @!p0 $0x0  }
0x12: {  	s1 =	sld [smem:$0x3F9B];
	s0 =	simm.s32 @p0 $0x1  }
0x13: {  	[smem:$0x3FB6] =	sst s0;
	s0 =	simm.s32 @!p1 $0x0  }
0x14: {  	s2 =	sld [smem:$0x3F9A];
	s0 =	simm.s32 @p1 $0x1  }
0x15: {  	[smem:$0x3FB7] =	sst s0;
	s0 =	simm.s32 @!p2 $0x0  }
0x16: {  	s3 =	sld [smem:$0x3FDB];
	s0 =	simm.s32 @p2 $0x1  }
0x17: {  	s4 =	simm.s32 $0x1BF5;
	[smem:$0x3FB9] =	sst s0  }
0x18: {  	s0 =	sld [smem:$0x3F9C];
	_ =	swait.ge [sflag:s4], $0x0  }
0x19: {  	s7 =	sld [smem:$0x3F9D]  }
0x1a: {  	s8 =	sadd.s32 $0xFFFFE003, lr  }
0x1b: {  	s9 =	sadd.s32 $0xFFFFFEF7, lr;
	s5 =	simm.s32 $0xFFFFFFFF;
	p2 =	slt.u32 s8, $0xFFFFF086  }
0x1c: {  	p1 =	slt.u32 s9, $0xF7A;
	s5 =	simm.s32 @!p2 $0x0  }
0x1d: {  	s5 =	simm.s32 @p1 $0x1;
	p0 =	seq.s32 s7, s2  }
0x1e: {  	s7 =	smul.u32 @!p0 $0xF7A, s2;
	p2 =	seq.s32 @!p0 s5, $0x0  }
0x1f: {  	s9 =	smul.u32 $0xF7A, s1;
	s8 =	simm.s32 @!p0 $0x1BF5;
	p2 =	por !p2, p0  }
0x20: {  	[sflag:s8] =	ssyncset.s32 @!p0 $0xFFFFF086;
	s6 =	sadd.s32 @!p0 s3, s7;
	s7 =	simm.s32 @!p0 $0x108  }
0x21: {  	s3 =	sadd.s32 s3, s9;
	s6 =	sadd.s32 @!p0 $0x88, s6;
	s7 =	simm.s32 @p2 $0x1082  }
0x22: {  	[simem:s7], [sflag:s8] =	dma.local @!p0 [hbm:s6], $0xF7A  }
0x23: {  	s9 =	sor.u32 $0xD0000000, s2;
	s6 =	simm.s32 $0x108;
	_ =	swait.ge @!p0 [sflag:s8], $0x0  }
0x24: {  	s3 =	sadd.s32 $0x88, s3;
	s6 =	simm.s32 @!p1 $0x1082;
	[sflag:s4] =	ssyncset.s32 $0xFFFFF086  }
0x25: {  	[simem:s6], [sflag:s4] =	dma.local [hbm:s3], $0xF7A  }
0x26: {  	[smem:$0x3F9D] =	sst s1;
	(tag) =	ssettag s2;
	_ =	strace s9  }
0x27: {  	s1 =	sld [smem:$0x3FAD]  }
0x28: {  	s2 =	sld [smem:$0x3FAE]  }
0x29: {  	s4 =	sld [smem:$0x3FB0]  }
0x2a: {  	p0 =	seq.s32 s5, $0x0;
	s5 =	sld [smem:$0x3FB1]  }
0x2b: {  	s6 =	sld [smem:$0x3FB2]  }
0x2c: {  	s7 =	sld [smem:$0x3FB3]  }
0x2d: {  	s3 =	simm.s32 $0x108;
	s8 =	sld [smem:$0x3FB4]  }
0x2e: {  	s3 =	simm.s32 @!p0 $0x1082;
	s9 =	sld [smem:$0x3FB5]  }
0x2f: {  	lr =	sadd.s32 s0, s3;
	s0 =	sld [smem:$0x3FAC]  }
0x30: {  	s3 =	sld [smem:$0x3FAF]  }
0x31: {  	[smem:$0x3FB8] =	sst s10  }
0x32: {  	s10 =	sld [smem:$0x3FB6];
	_ =	sdelay $0x3  }
0x33: {  	p0 =	seq.s32 s10, $0x1;
	s10 =	sld [smem:$0x3FB8];
	_ =	sdelay $0x3  }
0x34: {  	[smem:$0x3FB8] =	sst s10  }
0x35: {  	s10 =	sld [smem:$0x3FB7];
	_ =	sdelay $0x3  }
0x36: {  	p1 =	seq.s32 s10, $0x1;
	s10 =	sld [smem:$0x3FB8];
	_ =	sdelay $0x3  }
0x37: {  	[smem:$0x3FB8] =	sst s10  }
0x38: {  	s10 =	sld [smem:$0x3FB9]  }
0x39: {  	_ = 	snop;
	(pc) =	sbr.ind lr, $3  }
0x3a: {  	_ = 	snop  }
0x3b: {  	_ = 	snop  }
0x3c: {  	p2 =	seq.s32 s10, $0x1;
	s10 =	sld [smem:$0x3FB8]  }
0x3d: {  	_ =	shalt  }
0x3e: {  	_ =	shalt  }
0x3f: {  	_ =	shalt  }
0x40: {  	_ =	shalt  }
0x41: {  	_ =	shalt  }
0x42: {  	_ =	shalt  }
0x43: {  	_ =	shalt  }
0x44: {  	_ =	shalt  }
0x45: {  	_ =	shalt  }
0x46: {  	_ =	shalt  }
0x47: {  	_ =	shalt  }
0x48: {  	_ =	shalt  }
0x49: {  	_ =	shalt  }
0x4a: {  	_ =	shalt  }
0x4b: {  	_ =	shalt  }
0x4c: {  	_ =	shalt  }
0x4d: {  	_ =	shalt  }
0x4e: {  	_ =	shalt  }
0x4f: {  	_ =	shalt  }
0x50: {  	_ =	shalt  }
0x51: {  	_ =	shalt  }
0x52: {  	_ =	shalt  }
0x53: {  	_ =	shalt  }
0x54: {  	_ =	shalt  }
0x55: {  	_ =	shalt  }
0x56: {  	_ =	shalt  }
0x57: {  	_ =	shalt  }
0x58: {  	_ =	shalt  }
0x59: {  	_ =	shalt  }
0x5a: {  	_ =	shalt  }
0x5b: {  	_ =	shalt  }
0x5c: {  	_ =	shalt  }
0x5d: {  	_ =	shalt  }
0x5e: {  	_ =	shalt  }
0x5f: {  	_ =	shalt  }
0x60: {  	_ =	shalt  }
0x61: {  	_ =	shalt  }
0x62: {  	_ =	shalt  }
0x63: {  	_ =	shalt  }
0x64: {  	_ =	shalt  }
0x65: {  	_ =	shalt  }
0x66: {  	_ =	shalt  }
0x67: {  	_ =	shalt  }
0x68: {  	_ =	shalt  }
0x69: {  	_ =	shalt  }
0x6a: {  	_ =	shalt  }
0x6b: {  	_ =	shalt  }
0x6c: {  	_ =	shalt  }
0x6d: {  	_ =	shalt  }
0x6e: {  	_ =	shalt  }
0x6f: {  	_ =	shalt  }
0x70: {  	_ =	shalt  }
0x71: {  	_ =	shalt  }
0x72: {  	_ =	shalt  }
0x73: {  	_ =	shalt  }
0x74: {  	_ =	shalt  }
0x75: {  	_ =	shalt  }
0x76: {  	_ =	shalt  }
0x77: {  	_ =	shalt  }
0x78: {  	_ =	shalt  }
0x79: {  	_ =	shalt  }
0x7a: {  	_ =	shalt  }
0x7b: {  	_ =	shalt  }
0x7c: {  	_ =	shalt  }
0x7d: {  	_ =	shalt  }
0x7e: {  	_ =	shalt  }
0x7f: {  	_ =	shalt  }
0x80: {  	_ =	shalt  }
0x81: {  	_ =	shalt  }
0x82: {  	_ =	shalt  }
0x83: {  	_ =	shalt  }
0x84: {  	_ =	shalt  }
0x85: {  	_ =	shalt  }
0x86: {  	_ =	shalt  }
0x87: {  	_ =	shalt  }
.Lfunc_end0:
.L_simem_size_0:
called_computation_lowered:
.L_overlay_start_0:
0x88: {  	s2 =	sld [smem:$0x3FD9]  }
0x89: {  	s3 =	sld [smem:$0x3FFE];
	_ =	sdelay $0x1  }
0x8a: {  	s1 =	srdreg.scid  }
0x8b: {  	s0 =	sand.u32 $0x1, s1  }
0x8c: {  	s17 =	sshll.u32 s0, $0xA;
	s2 =	sadd.s32 s3, s2  }
0x8d: {  	s2 =	sadd.s32 s2, s17  }
0x8e: {  	[smem:$0x3FC4] =	sst s2  }
0x8f: {  	_ = 	snop  }
0x90: {  	s2 =	sld [smem:$0x3FC9]  }
0x91: {  	s18 =	sld [smem:$0x3FC6]  }
0x92: {  	s4 =	sld [smem:$0x3FD0];
	(tm) =	ssettm $0x1  }
0x93: {  	s5 =	sld [smem:$0x3FFB];
	_ =	sdelay $0x3  }
0x94: {  	_ =	strace s5  }
0x95: {  	s5 =	sld [smem:$0x3FFC];
	_ =	sdelay $0x3  }
0x96: {  	_ =	strace s5  }
0x97: {  	s5 =	sld [smem:$0x3FFD];
	_ =	sdelay $0x3  }
0x98: {  	_ =	strace s5  }
0x99: {  	_ =	strace $0x8FFFFFFF  }
0x9a: {  	s19 =	sld [smem:$0x3FDB];
	_ =	sdelay $0x1  }
0x9b: {  	s6 =	simm.s32 $_scs_section_size  }
0x9c: {  	s7 =	simm.s32 $_size__tile_overlayer_lowered;
	s8 =	simm.s32 $_tile_overlayer_lowered  }
0x9d: {  	s22 =	simm.s32 $0x1BFF;
	s21 =	sshll.u32 s8, $0x1;
	s5 =	sadd.s32 s6, s19  }
0x9e: {  	s9 =	simm.s32 $0x0;
	s20 =	sshll.u32 s7, $0x1;
	s7 =	sadd.s32 s21, s5  }
0x9f: {  	[timem:s9], [sflag:s22] =	dma.local [hbm:s7], s20  }
0xa0: {  	_ =	swait.ge [sflag:s22], s20  }
0xa1: {  	s6 =	ssub.s32 $0x0, s20;
	[sflag:s22] =	ssyncset.done $0x0  }
0xa2: {  	[sflag:s22] =	ssyncadd.s32 s6;
	_ =	sdelay $0x1  }
0xa3: {  	s23 =	simm.s32 $0x1B8B  }
0xa4: {  	_ =	swait.ge [sflag:s23], $0x1  }
0xa5: {  	[sflag:s23] =	ssyncset.done $0x0  }
0xa6: {  	s25 =	simm.s32 $0x1B8E;
	s24 =	sld [smem:$0x3FFE];
	[sflag:s23] =	ssyncadd.s32 $0xFFFFFFFF  }
0xa7: {  	s26 =	simm.s32 $execute0_lowered;
	[smem:$0x3FD2] =	sst s25  }
0xa8: {  	s7 =	sshll.u32 s26, $0x1;
	_ =	strace $0x80000046;
	[dreg:$0x1] =	wrdreg $0xFFFFFFFF  }
0xa9: {  	s28 =	simm.s32 $_size_execute0_lowered;
	s5 =	sadd.s32 s5, s7;
	[dreg:$0x0] =	wrdreg $0x0  }
0xaa: {  	s7 =	sshll.u32 s28, $0x1;
	[dreg:$0x2] =	wrdreg s5  }
0xab: {  	[dreg:$0x3] =	wrdreg s7  }
0xac: {  	[dreg:$0x4] =	wrdreg $0xC0  }
0xad: {  	_ =	task [dreg:s9], $0x5FFFF  }
0xae: {  	[dreg:$0x1] =	wrdreg $0xFFFFFFFF  }
0xaf: {  	[dreg:$0x0] =	wrdreg $0x60  }
0xb0: {  	[dreg:$0x2] =	wrdreg s24  }
0xb1: {  	[dreg:$0x3] =	wrdreg s2  }
0xb2: {  	[dreg:$0x4] =	wrdreg s18  }
0xb3: {  	[dreg:$0x5] =	wrdreg s4  }
0xb4: {  	[dreg:$0x6] =	wrdreg $0x9  }
0xb5: {  	_ =	task.clear_ibuf [dreg:s9], $0x7FFFF;
	_ =	strace $0x90000046  }
0xb6: {  	s29 =	simm.s32 $0x9;
	_ =	strace $0x80000048  }
0xb7: {  	_ =	swait.ge [sflag:s29], $0x1  }
0xb8: {  	[sflag:s29] =	ssyncadd.s32 $0xFFFFFFFF  }
0xb9: {  	_ =	strace $0x90000048  }
0xba: {  	_ =	sfence  }
0xbb: {  	s30 =	sld [smem:$0x0];
	_ =	sdelay $0x2  }
0xbc: {  	s31 =	sshll.u32 s1, $0xD;
	s1 =	sshrl.u32 s1, $0x2  }
0xbd: {  	s3 =	sand.u32 $0x4000, s31;
	s1 =	sadd.s32 s1, s30  }
0xbe: {  	s0 =	sor.u32 s3, s0;
	s1 =	sshll.u32 s1, $0x11  }
0xbf: {  	s0 =	sor.u32 s1, s0  }
0xc0: {  	s0 =	sadd.s32 $0x8F2B, s0  }
0xc1: {  	[sflag:s0] =	ssyncadd.remote.s32 $0x1  }
0xc2: {  	_ =	sfence.sel $0xFFFF  }
0xc3: {  	[dreg:$0x0] =	wrdreg $0xFFFFFFFF;
	(pc) =	sbr.abs _section_cstart, $3  }
0xc4: {  	[dreg:$0x1] =	wrdreg $0xFFFFFFFF  }
0xc5: {  	_ =	task.clear_ibuf [dreg:s9], $0x2FFFF;
	_ =	strace $0x9FFFFFFF  }
0xc6: {  	(tm) =	ssettm $0x7FFFFFFF  }
0xc7: {  	_ =	shalt  }
tec
execute0_lowered:
.L_overlay_start_1:
0x0: {  	(tag) =	ssettag $0x1  }
0x1: {  	s9 =	rddreg [dreg:$0x0]  }
0x2: {  	s5 =	rddreg [dreg:$0x1]  }
0x3: {  	s1 =	rddreg [dreg:$0x2]  }
0x4: {  	s0 =	srdreg.scid;
	s7 =	rddreg [dreg:$0x3];
	s3 =	simm.s32 $0x0  }
0x5: {  	s2 =	stileid.u32;
	s13 =	simm.s32 $0x8000;
	s14 =	simm.s32 $0xC800  }
0x6: {  	s15 =	simm.s32 $0x12C00;
	s16 =	simm.s32 $0x1;
	s17 =	simm.s32 $0x2  }
0x7: {  	s18 =	simm.s32 $0x19000;
	s19 =	sand.u32 $0x1, s0;
	s0 =	rddreg [dreg:$0x4]  }
0x8: {  	s20 =	simm.s32 $0x19080;
	s21 =	simm.s32 $0x0;
	[smem:$0x7FF] =	sst s3  }
0x9: {  	s28 =	sshll.u32 s2, $0x8;
	s29 =	sshllo.u32 s2, $0x1;
	s12 =	sshll.u32 s2, $0x9  }
0xa: {  	s4 =	ssub.s32 $0x2, s19;
	_ =	strace $0x80000047;
	p0 =	seq.s32 s19, $0x1  }
0xb: {  	s10 =	sshll.u32 s29, $0x7;
	s11 =	sshll.u32 s19, $0x7;
	v0 =	vmov s19;
	s19 =	simm.s32 $0x3  }
0xc: {  	s6 =	sshrl.u32 s4, $0x1;
	s30 =	sor.u32 s11, s12;
	s12 =	simm.s32 $0x2600  }
0xd: {  	s8 =	ssub.s32 s4, s6;
	s4 =	sadd.s32 s5, s28;
	s5 =	sadd.s32 s5, s10  }
0xe: {  	s6 =	sshll.u32 s29, $0x8;
	s10 =	sshrl.u32 s30, $0x3;
	s12 =	simm.s32 @!p0 $0xC00  }
0xf: {  	s11 =	sor.u32 s11, s6;
	s6 =	sadd.s32 s7, s10;
	s8 =	smax.u32 s8, $0x1  }
0x10: {  	s9 =	sadd.s32 s12, s9;
	s10 =	simm.s32 $0x19100;
	s31 =	sshrl.u32 s11, $0x3  }
0x11: {  	s12 =	simm.s32 $0x400;
	s11 =	simm.s32 $0x4;
	s7 =	sadd.s32 s7, s31  }
.LBB2_1:
0x12: {  	[tilespmem:s10], [sflag:$0x4] =	stream.linear.gather [hbm4b:s1+s3], $0x2, $0x38;
	[tilespmem:$0x19110] =	vst v63  }
0x13: {  	_ =	swait.ge [sflag:s11], $0x2  }
0x14: {  	[sflag:s11] =	ssyncset.done $0x0  }
0x15: {  	[sflag:s11] =	ssyncadd.s32 $0xFFFFFFFE  }
0x16: {  	v1 =	vld.idx.msk [tilespmem:v0+s10+$0x0], $0xffff;
	[tilespmem:s3], [sflag:$0x1] =	stream.linear.gather [hbm4b:s9+s3], $0xC800, $0x38  }
0x17: {  	_ = 	snop  }
0x18: {  	[tilespmem:s14], [sflag:$0x2] =	stream.strided.gather [hbm4b:s4+s12], $0x6400, s13, s12, $0x38;
	[tilespmem:$0x19110] =	vst v63  }
0x19: {  	_ = 	snop  }
0x1a: {  	[tilespmem:s15], [sflag:$0x3] =	stream.strided.gather [hbm4b:s5+s12], $0x6400, s13, s12, $0x38;
	[tilespmem:$0x19110] =	vst v63  }
0x1b: {  	_ =	swait.ge [sflag:s16], $0xC800  }
0x1c: {  	[sflag:s16] =	ssyncset.done $0x0  }
0x1d: {  	[sflag:s16] =	ssyncadd.s32 $0xFFFF3800  }
0x1e: {  	_ =	swait.ge [sflag:s17], $0x6400  }
0x1f: {  	[sflag:s17] =	ssyncset.done $0x0  }
0x20: {  	s22 =	simm.s32 $0xCA00;
	s23 =	simm.s32 $0x0;
	[sflag:s17] =	ssyncadd.s32 $0xFFFF9C00  }
.LBB2_2:
0x21: {  	v2 =	vmov s22;
	_ =	sdelay $0x3  }
0x22: {  	s25 =	simm.s32 $0x0  }
0x23: {  	v3 =	vld.idx.msk [tilespmem:v2+s25+$0xFFFFFE00 ss:$0x1], $0xffff  }
0x24: {  	v4 =	vld.idx.msk [tilespmem:v2+s25+$0xFFFFFE80 ss:$0x1], $0xffff  }
0x25: {  	v6 =	vld.idx.msk [tilespmem:v2+s25+$0xFFFFFF00 ss:$0x1], $0xffff  }
0x26: {  	v8 =	vld.idx.msk [tilespmem:v2+s25+$0xFFFFFF80 ss:$0x1], $0xffff;
	_ =	sdelay $0x1  }
0x27: {  	v10 =	vld.idx.msk [tilespmem:v2+s25+$0x0 ss:$0x1], $0xffff;
	vm5 =	vgt.s32 v3, $0xC7FF;
	v5 =	vadd.s32 $0xFFFF3800, v3  }
0x28: {  	v7 =	vld.idx.msk [tilespmem:v2+s25+$0x100 ss:$0x1], $0xffff;
	v9 =	vsel vm5, v5, v3  }
0x29: {  	v12 =	vld.idx.msk [tilespmem:v2+s25+$0x80 ss:$0x1], $0xffff;
	vm1 =	vgt.s32 v4, $0xC7FF;
	vm0 =	vgt.s32 v6, $0xC7FF;
	v3 =	vadd.s32 $0xFFFF3800, v4  }
0x2a: {  	s24 =	simm.s32 $0x400;
	vm2 =	vgt.s32 v8, $0xC7FF;
	v5 =	vld.idx.msk [tilespmem:v2+s25+$0x180 ss:$0x1], $0xffff;
	v11 =	vsel vm1, v3, v4;
	v3 =	vadd.s32 $0xFFFF3800, v6  }
0x2b: {  	vm3 =	vmmov vm2;
	v4 =	vadd.s32 $0xFFFF3800, v8;
	v13 =	vsel vm0, v3, v6;
	v3 =	vld.idx.msk [tilespmem:v2+s24+$0xFFFFFF80 ss:$0x1], $0xffff  }
0x2c: {  	v19 =	vsel vm3, v4, v8;
	v4 =	vld.idx.msk [tilespmem:v2+s24+$0xFFFFFF00 ss:$0x1], $0xffff  }
0x2d: {  	v15 =	vld.idx.msk [tilespmem:v9+s3+$0x0], $0xffff  }
0x2e: {  	vm6 =	vgt.s32 v10, $0xC7FF;
	vm4 =	vgt.s32 v12, $0xC7FF;
	v6 =	vld.idx.msk [tilespmem:v2+s24+$0xFFFFFE80 ss:$0x1], $0xffff  }
0x2f: {  	v16 =	vadd.s32 $0xFFFF3800, v7;
	vm7 =	vmmov vm0;
	v8 =	vadd.s32 $0xFFFF3800, v10;
	v9 =	vld.idx.msk [tilespmem:v11+s3+$0x0], $0xffff  }
0x30: {  	vm2 =	vgt.s32 v7, $0xC7FF;
	vm0 =	vgt.s32 v5, $0xC7FF;
	v11 =	vsel vm6, v8, v10;
	v8 =	vld.idx.msk [tilespmem:v2+s24+$0xFFFFFE00 ss:$0x1], $0xffff  }
0x31: {  	v14 =	vadd.s32 $0xFFFF3800, v5;
	v10 =	vld.idx.msk [tilespmem:v13+s3+$0x0], $0xffff;
	v13 =	vadd.s32 $0xFFFF3800, v12;
	vm9 =	vgt.s32 v3, $0xC7FF  }
0x32: {  	s25 =	simm.s32 $0x2000;
	v12 =	vsel vm4, v13, v12;
	v13 =	vld.idx.msk [tilespmem:v19+s3+$0x0], $0xffff;
	v17 =	vand.u32 $0xFFFF0000, v15;
	v18 =	vshll.u32 v15, $0x10;
	v15 =	vmovc v1  }
.LBB2_3:
0x33: {  	vm8 =	vgt.s32 v4, $0xC7FF;
	v17 =	vsel vm5, v17, v18  }
0x34: {  	p0 =	sne.s32 s25, $0x18000;
	v7 =	vsel vm2, v16, v7;
	vm10 =	vmmov vm3;
	vm3 =	vmmov vm9  }
0x35: {  	v16 =	vand.u32 $0xFFFF0000, v9;
	v9 =	vshll.u32 v9, $0x10;
	v15 =	vadd.f32 v17, v15;
	v11 =	vld.idx.msk [tilespmem:v11+s3+$0x0], $0xffff  }
0x36: {  	v14 =	vsel vm0, v14, v5;
	v9 =	vsel vm1, v16, v9;
	vm1 =	vgt.s32 v6, $0xC7FF  }
0x37: {  	v5 =	vadd.f32 v9, v15;
	v9 =	vand.u32 $0xFFFF0000, v10;
	v10 =	vshll.u32 v10, $0x10;
	v12 =	vld.idx.msk [tilespmem:v12+s3+$0x0], $0xffff  }
0x38: {  	vm5 =	vgt.s32 v8, $0xC7FF;
	v15 =	vadd.s32 $0xFFFF3800, v8;
	v9 =	vsel vm7, v9, v10  }
0x39: {  	v10 =	vand.u32 $0xFFFF0000, v13;
	v13 =	vshll.u32 v13, $0x10;
	v9 =	vadd.f32 v9, v5;
	v16 =	vld.idx.msk [tilespmem:v7+s3+$0x0], $0xffff  }
0x3a: {  	v8 =	vsel vm5, v15, v8;
	v7 =	vadd.s32 $0xFFFF3800, v6;
	v10 =	vsel vm10, v10, v13;
	v5 =	vld.idx.msk [tilespmem:v2+s24+$0x180 ss:$0x1], $0xffff  }
0x3b: {  	v9 =	vadd.f32 v10, v9;
	v10 =	vand.u32 $0xFFFF0000, v11;
	v11 =	vshll.u32 v11, $0x10;
	v13 =	vld.idx.msk [tilespmem:v14+s3+$0x0], $0xffff  }
0x3c: {  	v6 =	vsel vm1, v7, v6;
	v14 =	vadd.s32 $0xFFFF3800, v4;
	v15 =	vld.idx.msk [tilespmem:v2+s24+$0x0 ss:$0x1], $0xffff;
	v10 =	vsel vm6, v10, v11  }
0x3d: {  	v11 =	vshll.u32 v12, $0x10;
	v7 =	vld.idx.msk [tilespmem:v2+s24+$0x100 ss:$0x1], $0xffff;
	v9 =	vadd.f32 v10, v9;
	v10 =	vand.u32 $0xFFFF0000, v12  }
0x3e: {  	v12 =	vsel vm8, v14, v4;
	v4 =	vadd.s32 $0xFFFF3800, v3;
	v17 =	vld.idx.msk [tilespmem:v2+s24+$0x80 ss:$0x1], $0xffff;
	s24 =	sshra.s32 s25, $0x2;
	v10 =	vsel vm4, v10, v11  }
0x3f: {  	v11 =	vshll.u32 v16, $0x10;
	v18 =	vld.idx.msk [tilespmem:v2+s24+$0xFFFFFF80 ss:$0x1], $0xffff;
	v9 =	vadd.f32 v10, v9;
	v10 =	vand.u32 $0xFFFF0000, v16  }
0x40: {  	vm7 =	vmmov vm8;
	v20 =	vsel vm3, v4, v3;
	v19 =	vld.idx.msk [tilespmem:v8+s3+$0x0], $0xffff;
	v3 =	vsel vm2, v10, v11  }
0x41: {  	v8 =	vand.u32 $0xFFFF0000, v13;
	v10 =	vshll.u32 v13, $0x10;
	v4 =	vld.idx.msk [tilespmem:v2+s24+$0xFFFFFF00 ss:$0x1], $0xffff;
	v3 =	vadd.f32 v3, v9  }
.Ltmp0:
0x42: {  	vm6 =	vgt.s32 v15, $0xC7FF;
	v11 =	vadd.s32 $0xFFFF3800, v15;
	v8 =	vsel vm0, v8, v10;
	v9 =	vld.idx.msk [tilespmem:v6+s3+$0x0], $0xffff;
	(pc) =	sbr.rel @p0 .LBB2_3-.Ltmp0, $4  }
0x43: {  	vm0 =	vgt.s32 v5, $0xC7FF;
	v11 =	vsel vm6, v11, v15;
	v6 =	vld.idx.msk [tilespmem:v2+s24+$0xFFFFFE80 ss:$0x1], $0xffff;
	v15 =	vadd.f32 v8, v3  }
0x44: {  	v14 =	vadd.s32 $0xFFFF3800, v5;
	vm4 =	vgt.s32 v17, $0xC7FF;
	v13 =	vadd.s32 $0xFFFF3800, v17;
	v10 =	vld.idx.msk [tilespmem:v12+s3+$0x0], $0xffff  }
0x45: {  	vm2 =	vgt.s32 v7, $0xC7FF;
	v16 =	vadd.s32 $0xFFFF3800, v7;
	v12 =	vsel vm4, v13, v17;
	v8 =	vld.idx.msk [tilespmem:v2+s24+$0xFFFFFE00 ss:$0x1], $0xffff;
	v3 =	vmovc v18  }
0x46: {  	s25 =	sadd.s32 $0x1000, s25;
	v17 =	vand.u32 $0xFFFF0000, v19;
	v18 =	vshll.u32 v19, $0x10;
	vm9 =	vgt.s32 v3, $0xC7FF;
	v13 =	vld.idx.msk [tilespmem:v20+s3+$0x0], $0xffff  }
0x47: {  	vm8 =	vgt.s32 v4, $0xC7FF;
	v17 =	vsel vm5, v17, v18  }
0x48: {  	v7 =	vsel vm2, v16, v7;
	vm10 =	vmmov vm3;
	vm3 =	vmmov vm9  }
0x49: {  	v29 =	vand.u32 $0xFFFF0000, v9;
	v30 =	vshll.u32 v9, $0x10;
	v5 =	vsel vm0, v14, v5  }
0x4a: {  	v38 =	vadd.s32 $0xFFFF3800, v4;
	v42 =	vadd.s32 $0xFFFF3800, v3;
	v15 =	vadd.f32 v17, v15  }
0x4b: {  	v11 =	vld.idx.msk [tilespmem:v11+s3+$0x0], $0xffff;
	vm5 =	vgt.s32 v6, $0xC7FF;
	v9 =	vsel vm1, v29, v30;
	v36 =	vadd.s32 $0xFFFF3800, v6  }
0x4c: {  	v12 =	vld.idx.msk [tilespmem:v12+s3+$0x0], $0xffff;
	v4 =	vsel vm8, v38, v4;
	v3 =	vsel vm3, v42, v3;
	v31 =	vand.u32 $0xFFFF0000, v10  }
0x4d: {  	v39 =	vld.idx.msk [tilespmem:v2+s24+$0x0 ss:$0x1], $0xffff;
	v32 =	vshll.u32 v10, $0x10;
	v9 =	vadd.f32 v9, v15;
	vm9 =	vgt.s32 v8, $0xC7FF  }
0x4e: {  	v40 =	vld.idx.msk [tilespmem:v2+s24+$0x180 ss:$0x1], $0xffff;
	v33 =	vadd.s32 $0xFFFF3800, v8;
	v10 =	vsel vm7, v31, v32;
	v34 =	vand.u32 $0xFFFF0000, v13  }
0x4f: {  	v43 =	vld.idx.msk [tilespmem:v2+s24+$0x80 ss:$0x1], $0xffff;
	v35 =	vshll.u32 v13, $0x10;
	v8 =	vsel vm9, v33, v8;
	v9 =	vadd.f32 v10, v9  }
0x50: {  	v6 =	vsel vm5, v36, v6;
	v7 =	vld.idx.msk [tilespmem:v7+s3+$0x0], $0xffff;
	v10 =	vsel vm10, v34, v35;
	v37 =	vand.u32 $0xFFFF0000, v11  }
0x51: {  	v2 =	vld.idx.msk [tilespmem:v2+s24+$0x100 ss:$0x1], $0xffff;
	v11 =	vshll.u32 v11, $0x10;
	v41 =	vand.u32 $0xFFFF0000, v12;
	v9 =	vadd.f32 v10, v9  }
0x52: {  	v5 =	vld.idx.msk [tilespmem:v5+s3+$0x0], $0xffff;
	v12 =	vshll.u32 v12, $0x10;
	vm11 =	vgt.s32 v39, $0xC7FF;
	v10 =	vsel vm6, v37, v11  }
0x53: {  	v46 =	vadd.s32 $0xFFFF3800, v39;
	vm12 =	vgt.s32 v40, $0xC7FF;
	v9 =	vadd.f32 v10, v9  }
0x54: {  	vm13 =	vgt.s32 v43, $0xC7FF;
	v48 =	vadd.s32 $0xFFFF3800, v43;
	v10 =	vsel vm4, v41, v12;
	v8 =	vld.idx.msk [tilespmem:v8+s3+$0x0], $0xffff  }
0x55: {  	v44 =	vand.u32 $0xFFFF0000, v7;
	v7 =	vshll.u32 v7, $0x10;
	v9 =	vadd.f32 v10, v9  }
0x56: {  	vm14 =	vgt.s32 v2, $0xC7FF;
	v47 =	vsel vm11, v46, v39;
	v6 =	vld.idx.msk [tilespmem:v6+s3+$0x0], $0xffff;
	v7 =	vsel vm2, v44, v7  }
0x57: {  	v45 =	vand.u32 $0xFFFF0000, v5;
	v5 =	vshll.u32 v5, $0x10;
	v7 =	vadd.f32 v7, v9  }
0x58: {  	v50 =	vadd.s32 $0xFFFF3800, v2;
	v4 =	vld.idx.msk [tilespmem:v4+s3+$0x0], $0xffff;
	v49 =	vsel vm13, v48, v43;
	v5 =	vsel vm0, v45, v5  }
0x59: {  	v51 =	vand.u32 $0xFFFF0000, v8;
	v8 =	vshll.u32 v8, $0x10;
	v5 =	vadd.f32 v5, v7  }
0x5a: {  	v52 =	vadd.s32 $0xFFFF3800, v40;
	v3 =	vld.idx.msk [tilespmem:v3+s3+$0x0], $0xffff;
	v2 =	vsel vm14, v50, v2;
	v8 =	vsel vm9, v51, v8  }
0x5b: {  	v53 =	vand.u32 $0xFFFF0000, v6;
	v6 =	vshll.u32 v6, $0x10;
	v5 =	vadd.f32 v8, v5  }
0x5c: {  	vm15 =	vmmov vm8;
	v54 =	vsel vm12, v52, v40;
	v9 =	vld.idx.msk [tilespmem:v47+s3+$0x0], $0xffff;
	v6 =	vsel vm5, v53, v6  }
0x5d: {  	v55 =	vand.u32 $0xFFFF0000, v4;
	v4 =	vshll.u32 v4, $0x10;
	v5 =	vadd.f32 v6, v5  }
0x5e: {  	vm3 =	vmmov vm3;
	v4 =	vsel vm15, v55, v4;
	v7 =	vld.idx.msk [tilespmem:v49+s3+$0x0], $0xffff  }
0x5f: {  	v56 =	vand.u32 $0xFFFF0000, v3;
	v3 =	vshll.u32 v3, $0x10;
	v4 =	vadd.f32 v4, v5  }
0x60: {  	v2 =	vld.idx.msk [tilespmem:v2+s3+$0x0], $0xffff;
	v3 =	vsel vm3, v56, v3  }
0x61: {  	v57 =	vand.u32 $0xFFFF0000, v9;
	v58 =	vshll.u32 v9, $0x10;
	v3 =	vadd.f32 v3, v4  }
0x62: {  	v59 =	vld.idx.msk [tilespmem:v54+s3+$0x0], $0xffff;
	v4 =	vsel vm11, v57, v58  }
0x63: {  	v60 =	vand.u32 $0xFFFF0000, v7;
	v61 =	vshll.u32 v7, $0x10;
	v3 =	vadd.f32 v4, v3  }
0x64: {  	v4 =	vsel vm13, v60, v61  }
0x65: {  	s31 =	sshll.u32 s23, $0x4;
	s23 =	sadd.s32 $0x1, s23;
	v62 =	vand.u32 $0xFFFF0000, v2;
	v2 =	vshll.u32 v2, $0x10;
	v3 =	vadd.f32 v4, v3  }
0x66: {  	p0 =	sne.s32 s23, $0x8;
	v2 =	vsel vm14, v62, v2  }
.Ltmp1:
0x67: {  	v63 =	vshll.u32 v59, $0x10;
	v2 =	vadd.f32 v2, v3;
	v3 =	vand.u32 $0xFFFF0000, v59;
	(pc) =	sbr.rel @p0 .LBB2_2-.Ltmp1, $4  }
0x68: {  	v3 =	vsel vm12, v3, v63  }
0x69: {  	v2 =	vadd.f32 v3, v2  }
0x6a: {  	s24 =	sand.u32 $0x3FFFFFF0, s31  }
0x6b: {  	s22 =	sadd.s32 $0x10, s22;
	[tilespmem:s24+$0x19000] =	vst v2  }
0x6c: {  	s22 =	simm.s32 $0x0  }
0x6d: {  	[hbm4b:s6+s22] =	stream.linear.scatter [tilespmem:s18], [sflag:$0x4], $0x80, $0x38;
	[tilespmem:$0x19110] =	vst v63  }
0x6e: {  	_ =	swait.ge [sflag:s11], $0x80  }
0x6f: {  	[sflag:s11] =	ssyncset.done $0x0  }
0x70: {  	[sflag:s11] =	ssyncadd.s32 $0xFFFFFF80  }
0x71: {  	_ =	swait.ge [sflag:s19], $0x6400  }
0x72: {  	[sflag:s19] =	ssyncset.done $0x0  }
0x73: {  	s23 =	simm.s32 $0xC800;
	[sflag:s19] =	ssyncadd.s32 $0xFFFF9C00  }
.LBB2_6:
0x74: {  	v2 =	vmov s23;
	_ =	sdelay $0x3  }
0x75: {  	s25 =	simm.s32 $0x0  }
0x76: {  	v3 =	vld.idx.msk [tilespmem:v2+s25+$0x6400 ss:$0x1], $0xffff  }
0x77: {  	v4 =	vld.idx.msk [tilespmem:v2+s25+$0x6480 ss:$0x1], $0xffff  }
0x78: {  	v6 =	vld.idx.msk [tilespmem:v2+s25+$0x6500 ss:$0x1], $0xffff  }
0x79: {  	v8 =	vld.idx.msk [tilespmem:v2+s25+$0x6580 ss:$0x1], $0xffff;
	_ =	sdelay $0x1  }
0x7a: {  	v10 =	vld.idx.msk [tilespmem:v2+s25+$0x6600 ss:$0x1], $0xffff;
	vm5 =	vgt.s32 v3, $0xC7FF;
	v5 =	vadd.s32 $0xFFFF3800, v3  }
0x7b: {  	v7 =	vld.idx.msk [tilespmem:v2+s25+$0x6700 ss:$0x1], $0xffff;
	v9 =	vsel vm5, v5, v3  }
0x7c: {  	v12 =	vld.idx.msk [tilespmem:v2+s25+$0x6680 ss:$0x1], $0xffff;
	vm1 =	vgt.s32 v4, $0xC7FF;
	vm0 =	vgt.s32 v6, $0xC7FF;
	v3 =	vadd.s32 $0xFFFF3800, v4  }
0x7d: {  	s24 =	simm.s32 $0x400;
	vm2 =	vgt.s32 v8, $0xC7FF;
	v5 =	vld.idx.msk [tilespmem:v2+s25+$0x6780 ss:$0x1], $0xffff;
	v11 =	vsel vm1, v3, v4;
	v3 =	vadd.s32 $0xFFFF3800, v6  }
0x7e: {  	vm3 =	vmmov vm2;
	v4 =	vadd.s32 $0xFFFF3800, v8;
	v13 =	vsel vm0, v3, v6;
	v3 =	vld.idx.msk [tilespmem:v2+s24+$0x6580 ss:$0x1], $0xffff  }
0x7f: {  	v19 =	vsel vm3, v4, v8;
	v4 =	vld.idx.msk [tilespmem:v2+s24+$0x6500 ss:$0x1], $0xffff  }
0x80: {  	v15 =	vld.idx.msk [tilespmem:v9+s3+$0x0], $0xffff  }
0x81: {  	vm6 =	vgt.s32 v10, $0xC7FF;
	vm4 =	vgt.s32 v12, $0xC7FF;
	v6 =	vld.idx.msk [tilespmem:v2+s24+$0x6480 ss:$0x1], $0xffff  }
0x82: {  	v16 =	vadd.s32 $0xFFFF3800, v7;
	vm7 =	vmmov vm0;
	v8 =	vadd.s32 $0xFFFF3800, v10;
	v9 =	vld.idx.msk [tilespmem:v11+s3+$0x0], $0xffff  }
0x83: {  	vm2 =	vgt.s32 v7, $0xC7FF;
	vm0 =	vgt.s32 v5, $0xC7FF;
	v11 =	vsel vm6, v8, v10;
	v8 =	vld.idx.msk [tilespmem:v2+s24+$0x6400 ss:$0x1], $0xffff  }
0x84: {  	v14 =	vadd.s32 $0xFFFF3800, v5;
	v10 =	vld.idx.msk [tilespmem:v13+s3+$0x0], $0xffff;
	v13 =	vadd.s32 $0xFFFF3800, v12;
	vm9 =	vgt.s32 v3, $0xC7FF  }
0x85: {  	s25 =	simm.s32 $0x2000;
	v12 =	vsel vm4, v13, v12;
	v13 =	vld.idx.msk [tilespmem:v19+s3+$0x0], $0xffff;
	v17 =	vand.u32 $0xFFFF0000, v15;
	v18 =	vshll.u32 v15, $0x10;
	v15 =	vmovc v1  }
.LBB2_7:
0x86: {  	vm8 =	vgt.s32 v4, $0xC7FF;
	v17 =	vsel vm5, v17, v18  }
0x87: {  	p0 =	sne.s32 s25, $0x18000;
	v7 =	vsel vm2, v16, v7;
	vm10 =	vmmov vm3;
	vm3 =	vmmov vm9  }
0x88: {  	v16 =	vand.u32 $0xFFFF0000, v9;
	v9 =	vshll.u32 v9, $0x10;
	v15 =	vadd.f32 v17, v15;
	v11 =	vld.idx.msk [tilespmem:v11+s3+$0x0], $0xffff  }
0x89: {  	v14 =	vsel vm0, v14, v5;
	v9 =	vsel vm1, v16, v9;
	vm1 =	vgt.s32 v6, $0xC7FF  }
0x8a: {  	v5 =	vadd.f32 v9, v15;
	v9 =	vand.u32 $0xFFFF0000, v10;
	v10 =	vshll.u32 v10, $0x10;
	v12 =	vld.idx.msk [tilespmem:v12+s3+$0x0], $0xffff  }
0x8b: {  	vm5 =	vgt.s32 v8, $0xC7FF;
	v15 =	vadd.s32 $0xFFFF3800, v8;
	v9 =	vsel vm7, v9, v10  }
0x8c: {  	v10 =	vand.u32 $0xFFFF0000, v13;
	v13 =	vshll.u32 v13, $0x10;
	v9 =	vadd.f32 v9, v5;
	v16 =	vld.idx.msk [tilespmem:v7+s3+$0x0], $0xffff  }
0x8d: {  	v8 =	vsel vm5, v15, v8;
	v7 =	vadd.s32 $0xFFFF3800, v6;
	v10 =	vsel vm10, v10, v13;
	v5 =	vld.idx.msk [tilespmem:v2+s24+$0x6780 ss:$0x1], $0xffff  }
0x8e: {  	v9 =	vadd.f32 v10, v9;
	v10 =	vand.u32 $0xFFFF0000, v11;
	v11 =	vshll.u32 v11, $0x10;
	v13 =	vld.idx.msk [tilespmem:v14+s3+$0x0], $0xffff  }
0x8f: {  	v6 =	vsel vm1, v7, v6;
	v14 =	vadd.s32 $0xFFFF3800, v4;
	v15 =	vld.idx.msk [tilespmem:v2+s24+$0x6600 ss:$0x1], $0xffff;
	v10 =	vsel vm6, v10, v11  }
0x90: {  	v11 =	vshll.u32 v12, $0x10;
	v7 =	vld.idx.msk [tilespmem:v2+s24+$0x6700 ss:$0x1], $0xffff;
	v9 =	vadd.f32 v10, v9;
	v10 =	vand.u32 $0xFFFF0000, v12  }
0x91: {  	v12 =	vsel vm8, v14, v4;
	v4 =	vadd.s32 $0xFFFF3800, v3;
	v17 =	vld.idx.msk [tilespmem:v2+s24+$0x6680 ss:$0x1], $0xffff;
	s24 =	sshra.s32 s25, $0x2;
	v10 =	vsel vm4, v10, v11  }
0x92: {  	v11 =	vshll.u32 v16, $0x10;
	v18 =	vld.idx.msk [tilespmem:v2+s24+$0x6580 ss:$0x1], $0xffff;
	v9 =	vadd.f32 v10, v9;
	v10 =	vand.u32 $0xFFFF0000, v16  }
0x93: {  	vm7 =	vmmov vm8;
	v20 =	vsel vm3, v4, v3;
	v19 =	vld.idx.msk [tilespmem:v8+s3+$0x0], $0xffff;
	v3 =	vsel vm2, v10, v11  }
0x94: {  	v8 =	vand.u32 $0xFFFF0000, v13;
	v10 =	vshll.u32 v13, $0x10;
	v4 =	vld.idx.msk [tilespmem:v2+s24+$0x6500 ss:$0x1], $0xffff;
	v3 =	vadd.f32 v3, v9  }
.Ltmp2:
0x95: {  	vm6 =	vgt.s32 v15, $0xC7FF;
	v11 =	vadd.s32 $0xFFFF3800, v15;
	v8 =	vsel vm0, v8, v10;
	v9 =	vld.idx.msk [tilespmem:v6+s3+$0x0], $0xffff;
	(pc) =	sbr.rel @p0 .LBB2_7-.Ltmp2, $4  }
0x96: {  	vm0 =	vgt.s32 v5, $0xC7FF;
	v11 =	vsel vm6, v11, v15;
	v6 =	vld.idx.msk [tilespmem:v2+s24+$0x6480 ss:$0x1], $0xffff;
	v15 =	vadd.f32 v8, v3  }
0x97: {  	v14 =	vadd.s32 $0xFFFF3800, v5;
	vm4 =	vgt.s32 v17, $0xC7FF;
	v13 =	vadd.s32 $0xFFFF3800, v17;
	v10 =	vld.idx.msk [tilespmem:v12+s3+$0x0], $0xffff  }
0x98: {  	vm2 =	vgt.s32 v7, $0xC7FF;
	v16 =	vadd.s32 $0xFFFF3800, v7;
	v12 =	vsel vm4, v13, v17;
	v8 =	vld.idx.msk [tilespmem:v2+s24+$0x6400 ss:$0x1], $0xffff;
	v3 =	vmovc v18  }
0x99: {  	s25 =	sadd.s32 $0x1000, s25;
	v17 =	vand.u32 $0xFFFF0000, v19;
	v18 =	vshll.u32 v19, $0x10;
	vm9 =	vgt.s32 v3, $0xC7FF;
	v13 =	vld.idx.msk [tilespmem:v20+s3+$0x0], $0xffff  }
0x9a: {  	vm8 =	vgt.s32 v4, $0xC7FF;
	v17 =	vsel vm5, v17, v18  }
0x9b: {  	v7 =	vsel vm2, v16, v7;
	vm10 =	vmmov vm3;
	vm3 =	vmmov vm9  }
0x9c: {  	v29 =	vand.u32 $0xFFFF0000, v9;
	v30 =	vshll.u32 v9, $0x10;
	v5 =	vsel vm0, v14, v5  }
0x9d: {  	v38 =	vadd.s32 $0xFFFF3800, v4;
	v42 =	vadd.s32 $0xFFFF3800, v3;
	v15 =	vadd.f32 v17, v15  }
0x9e: {  	v11 =	vld.idx.msk [tilespmem:v11+s3+$0x0], $0xffff;
	vm5 =	vgt.s32 v6, $0xC7FF;
	v9 =	vsel vm1, v29, v30;
	v36 =	vadd.s32 $0xFFFF3800, v6  }
0x9f: {  	v12 =	vld.idx.msk [tilespmem:v12+s3+$0x0], $0xffff;
	v4 =	vsel vm8, v38, v4;
	v3 =	vsel vm3, v42, v3;
	v31 =	vand.u32 $0xFFFF0000, v10  }
0xa0: {  	v39 =	vld.idx.msk [tilespmem:v2+s24+$0x6600 ss:$0x1], $0xffff;
	v32 =	vshll.u32 v10, $0x10;
	v9 =	vadd.f32 v9, v15;
	vm9 =	vgt.s32 v8, $0xC7FF  }
0xa1: {  	v40 =	vld.idx.msk [tilespmem:v2+s24+$0x6780 ss:$0x1], $0xffff;
	v33 =	vadd.s32 $0xFFFF3800, v8;
	v10 =	vsel vm7, v31, v32;
	v34 =	vand.u32 $0xFFFF0000, v13  }
0xa2: {  	v43 =	vld.idx.msk [tilespmem:v2+s24+$0x6680 ss:$0x1], $0xffff;
	v35 =	vshll.u32 v13, $0x10;
	v8 =	vsel vm9, v33, v8;
	v9 =	vadd.f32 v10, v9  }
0xa3: {  	v6 =	vsel vm5, v36, v6;
	v7 =	vld.idx.msk [tilespmem:v7+s3+$0x0], $0xffff;
	v10 =	vsel vm10, v34, v35;
	v37 =	vand.u32 $0xFFFF0000, v11  }
0xa4: {  	v2 =	vld.idx.msk [tilespmem:v2+s24+$0x6700 ss:$0x1], $0xffff;
	v11 =	vshll.u32 v11, $0x10;
	v41 =	vand.u32 $0xFFFF0000, v12;
	v9 =	vadd.f32 v10, v9  }
0xa5: {  	v5 =	vld.idx.msk [tilespmem:v5+s3+$0x0], $0xffff;
	v12 =	vshll.u32 v12, $0x10;
	vm11 =	vgt.s32 v39, $0xC7FF;
	v10 =	vsel vm6, v37, v11  }
0xa6: {  	v46 =	vadd.s32 $0xFFFF3800, v39;
	vm12 =	vgt.s32 v40, $0xC7FF;
	v9 =	vadd.f32 v10, v9  }
0xa7: {  	vm13 =	vgt.s32 v43, $0xC7FF;
	v48 =	vadd.s32 $0xFFFF3800, v43;
	v10 =	vsel vm4, v41, v12;
	v8 =	vld.idx.msk [tilespmem:v8+s3+$0x0], $0xffff  }
0xa8: {  	v44 =	vand.u32 $0xFFFF0000, v7;
	v7 =	vshll.u32 v7, $0x10;
	v9 =	vadd.f32 v10, v9  }
0xa9: {  	vm14 =	vgt.s32 v2, $0xC7FF;
	v47 =	vsel vm11, v46, v39;
	v6 =	vld.idx.msk [tilespmem:v6+s3+$0x0], $0xffff;
	v7 =	vsel vm2, v44, v7  }
0xaa: {  	v45 =	vand.u32 $0xFFFF0000, v5;
	v5 =	vshll.u32 v5, $0x10;
	v7 =	vadd.f32 v7, v9  }
0xab: {  	v50 =	vadd.s32 $0xFFFF3800, v2;
	v4 =	vld.idx.msk [tilespmem:v4+s3+$0x0], $0xffff;
	v49 =	vsel vm13, v48, v43;
	v5 =	vsel vm0, v45, v5  }
0xac: {  	v51 =	vand.u32 $0xFFFF0000, v8;
	v8 =	vshll.u32 v8, $0x10;
	v5 =	vadd.f32 v5, v7  }
0xad: {  	v52 =	vadd.s32 $0xFFFF3800, v40;
	v3 =	vld.idx.msk [tilespmem:v3+s3+$0x0], $0xffff;
	v2 =	vsel vm14, v50, v2;
	v8 =	vsel vm9, v51, v8  }
0xae: {  	v53 =	vand.u32 $0xFFFF0000, v6;
	v6 =	vshll.u32 v6, $0x10;
	v5 =	vadd.f32 v8, v5  }
0xaf: {  	vm15 =	vmmov vm8;
	v54 =	vsel vm12, v52, v40;
	v9 =	vld.idx.msk [tilespmem:v47+s3+$0x0], $0xffff;
	v6 =	vsel vm5, v53, v6  }
0xb0: {  	v55 =	vand.u32 $0xFFFF0000, v4;
	v4 =	vshll.u32 v4, $0x10;
	v5 =	vadd.f32 v6, v5  }
0xb1: {  	vm3 =	vmmov vm3;
	v4 =	vsel vm15, v55, v4;
	v7 =	vld.idx.msk [tilespmem:v49+s3+$0x0], $0xffff  }
0xb2: {  	v56 =	vand.u32 $0xFFFF0000, v3;
	v3 =	vshll.u32 v3, $0x10;
	v4 =	vadd.f32 v4, v5  }
0xb3: {  	v2 =	vld.idx.msk [tilespmem:v2+s3+$0x0], $0xffff;
	v3 =	vsel vm3, v56, v3  }
0xb4: {  	v57 =	vand.u32 $0xFFFF0000, v9;
	v58 =	vshll.u32 v9, $0x10;
	v3 =	vadd.f32 v3, v4  }
0xb5: {  	v59 =	vld.idx.msk [tilespmem:v54+s3+$0x0], $0xffff;
	v4 =	vsel vm11, v57, v58  }
0xb6: {  	v60 =	vand.u32 $0xFFFF0000, v7;
	v61 =	vshll.u32 v7, $0x10;
	v3 =	vadd.f32 v4, v3  }
0xb7: {  	v4 =	vsel vm13, v60, v61  }
0xb8: {  	s31 =	sshll.u32 s22, $0x4;
	s22 =	sadd.s32 $0x1, s22;
	v62 =	vand.u32 $0xFFFF0000, v2;
	v2 =	vshll.u32 v2, $0x10;
	v3 =	vadd.f32 v4, v3  }
0xb9: {  	p0 =	sne.s32 s22, $0x8;
	v2 =	vsel vm14, v62, v2  }
.Ltmp3:
0xba: {  	v63 =	vshll.u32 v59, $0x10;
	v2 =	vadd.f32 v2, v3;
	v3 =	vand.u32 $0xFFFF0000, v59;
	(pc) =	sbr.rel @p0 .LBB2_6-.Ltmp3, $4  }
0xbb: {  	v3 =	vsel vm12, v3, v63  }
0xbc: {  	v2 =	vadd.f32 v3, v2  }
0xbd: {  	s24 =	sand.u32 $0x3FFFFFF0, s31  }
0xbe: {  	s23 =	sadd.s32 $0x10, s23;
	[tilespmem:s24+$0x19080] =	vst v2  }
0xbf: {  	s21 =	sadd.s32 $0x1, s21  }
0xc0: {  	p0 =	sne.s32 s21, s8  }
.Ltmp4:
0xc1: {  	_ = 	snop;
	(pc) =	sbr.rel @p0 .LBB2_1-.Ltmp4, $4  }
0xc2: {  	[hbm4b:s7+s3] =	stream.linear.scatter [tilespmem:s20], [sflag:$0x4], $0x80, $0x38;
	[tilespmem:$0x19110] =	vst v63  }
0xc3: {  	_ =	swait.ge [sflag:s11], $0x80  }
0xc4: {  	[sflag:s11] =	ssyncset.done $0x0  }
0xc5: {  	[sflag:s11] =	ssyncadd.s32 $0xFFFFFF80  }
0xc6: {  	_ =	sfence.sel $0x180000  }
0xc7: {  	[bflag:$0x0] =	sbarrier.arrive $0xFFFF  }
0xc8: {  	p0 =	sne.s32 s2, $0x0;
	_ =	strace $0x90000047  }
0xc9: {  	s0 =	sadd.s32 @!p0 $0x100000, s0;
	[bflag:$0x2] =	sbarrier.arrive $0xFFFF  }
0xca: {  	[sflag:s0] =	ssyncadd.tile.s32 @!p0 $0x1;
	_ =	shalt  }
.Lfunc_end2:
_tile_overlayer_lowered:
.L_overlay_start_2:
0xcb: {  	(tag) =	ssettag $0x2  }
0xcc: {  	s0 =	rddreg [dreg:$0x0];
	s2 =	stileid.u32  }
0xcd: {  	s1 =	rddreg [dreg:$0x1];
	p0 =	sne.s32 s2, $0x0  }
0xce: {  	s3 =	rddreg [dreg:$0x2];
	[bflag:$0x3] =	sbarrier.arrive $0xFFFF;
	s2 =	simm.s32 @!p0 $0x1C04  }
0xcf: {  	[timem:s3], [sflag:s2] =	dma.local @!p0 [hbm:s0], s1  }
0xd0: {  	s0 =	simm.s32 @!p0 $0x4  }
0xd1: {  	_ =	swait.ge @!p0 [sflag:s0], s1  }
0xd2: {  	s1 =	ssub.s32 @!p0 $0x0, s1;
	[sflag:s0] =	ssyncset.done @!p0 $0x0  }
0xd3: {  	[sflag:s0] =	ssyncadd.s32 @!p0 s1  }
0xd4: {  	[bflag:$0x3] =	sbarrier.arrive $0xFFFF  }
0xd5: {  	_ =	shalt  }

</sc_bundles>
